<compile_context>
chip_gen: v7x
topology: tpu7x:2x2x1
jax: 0.10.2.dev20260603
libtpu: 0.0.44.dev20260713+nightly
codegen_flags: <defaults>
</compile_context>

<pallas_src>
import functools

import jax
import jax.numpy as jnp
from jax import lax
from jax.experimental import pallas as pl
from jax.experimental.pallas import tpu as pltpu
from jax.experimental.pallas import tpu_sc as plsc
from jax._src.pallas import mpmd as _pl_mpmd

M = 1_000_000
D = 32
B = 16384
LR = 0.01

NC = 2
NS = 16
BT = B // NS
ACC = 43008
W = 1024
R = 41984
P = 12
ZR = ACC // NS


def _rsqrt16(x):
    i = plsc.bitcast(x, jnp.int32)
    i = jnp.int32(0x5F3759DF) - lax.shift_right_logical(i, 1)
    y = plsc.bitcast(i, jnp.float32)
    for _ in range(3):
        y = y * (jnp.float32(1.5) - jnp.float32(0.5) * x * y * y)
    return y


@functools.cache
def _build_sc_update():
    mesh = plsc.VectorSubcoreMesh(core_axis_name="c", subcore_axis_name="s")

    def _sc_update(items, pristine, idx2, val, out, stage, acc, sem_a, sem_b):
        @pl.with_scoped(
            pltpu.VMEM((8, 128), jnp.int32),
            pltpu.VMEM((BT,), jnp.int32),
            pltpu.VMEM((BT,), jnp.int32),
            pltpu.VMEM((BT,), jnp.int32),
            pltpu.VMEM((BT, D), jnp.float32),
            pltpu.VMEM((32, D), jnp.float32),
            pltpu.VMEM((128, D), jnp.float32),
        )
        def _body(idx_v, gidx, aidx, tidx, buf, vbuf, zrow):
            _tile_body(pristine, idx2, val, out, stage, acc, sem_a, sem_b,
                       idx_v, gidx, aidx, tidx, buf, vbuf, zrow)

        _body()

    def _tile_body(pristine, idx2, val, out, stage, acc, sem_a, sem_b,
                   idx_v, gidx, aidx, tidx, buf, vbuf, zrow):
        c = lax.axis_index("c")
        s = lax.axis_index("s")

        pltpu.sync_copy(idx2.at[pl.ds(s * 8, 8)], idx_v)

        zero16 = jnp.zeros((16,), jnp.float32)

        def zrow_body(i, carry):
            zrow[i, pl.ds(0, 16)] = zero16
            zrow[i, pl.ds(16, 16)] = zero16
            return carry

        lax.fori_loop(0, 128, zrow_body, 0)

        srow = c * B + s * BT

        def clip_row(r, carry):
            v0 = vbuf[r, pl.ds(0, 16)]
            v1 = vbuf[r, pl.ds(16, 16)]
            ssum = jnp.sum(v0 * v0 + v1 * v1)
            ssum16 = jnp.broadcast_to(ssum, (16,))
            scale = jnp.float32(-LR) * jnp.minimum(
                jnp.float32(1.0),
                _rsqrt16(jnp.maximum(ssum16, jnp.float32(1e-24))))
            vbuf[r, pl.ds(0, 16)] = v0 * scale
            vbuf[r, pl.ds(16, 16)] = v1 * scale
            return carry

        def neg_row(r, carry):
            vbuf[r, pl.ds(0, 16)] = -vbuf[r, pl.ds(0, 16)]
            vbuf[r, pl.ds(16, 16)] = -vbuf[r, pl.ds(16, 16)]
            return carry

        def clip_chunk(k, carry):
            pltpu.sync_copy(val.at[pl.ds(s * BT + k * 32, 32)], vbuf)
            lax.fori_loop(0, 32, clip_row, 0)
            pltpu.sync_copy(vbuf, stage.at[pl.ds(srow + k * 32, 32)])
            lax.fori_loop(0, 32, neg_row, 0)
            pltpu.sync_copy(
                vbuf, stage.at[pl.ds(NC * B + srow + k * 32, 32)])
            return carry

        lax.fori_loop(0, BT // 32, clip_chunk, 0)

        def accz_body(i, carry):
            pltpu.sync_copy(zrow, acc.at[pl.ds(s * ZR + i * 128, 128)])
            return carry

        lax.fori_loop(0, ZR // 128, accz_body, 0)

        plsc.subcore_barrier()

        def pass_body(p, carry):
            lo = (c * P + p) * R

            lane = lax.iota(jnp.int32, 16)

            def map_k(k, carry2):
                def map_o(o, carry3):
                    iv = idx_v[k, pl.ds(o * 16, 16)]
                    inr = (iv >= lo) & (iv < lo + R)
                    loc = iv - lo
                    g = k * 128 + o * 16
                    pos = g + lane
                    gidx[pl.ds(g, 16)] = jnp.where(inr, iv, lo + pos)
                    aidx[pl.ds(g, 16)] = jnp.where(inr, loc, pos)
                    tidx[pl.ds(g, 16)] = jnp.where(inr, loc, R + pos)
                    return carry3
                return lax.fori_loop(0, 8, map_o, carry2)

            lax.fori_loop(0, 8, map_k, 0)

            pltpu.sync_copy(stage.at[pl.ds(srow, BT)], buf)
            pltpu.async_copy(buf, acc.at[tidx], sem_a, add=True).wait()
            plsc.subcore_barrier()

            pltpu.async_copy(pristine.at[gidx], buf, sem_a).wait()
            pltpu.async_copy(acc.at[aidx], buf, sem_b, add=True).wait()
            plsc.subcore_barrier()

            pltpu.async_copy(buf, out.at[gidx], sem_b).wait()

            pltpu.sync_copy(stage.at[pl.ds(NC * B + srow, BT)], buf)
            pltpu.async_copy(buf, acc.at[tidx], sem_a, add=True).wait()
            plsc.subcore_barrier()
            return carry

        lax.fori_loop(0, P, pass_body, 0)

    return _pl_mpmd._mpmd_map(
        [(mesh, _sc_update)],
        out_types=(
            jax.ShapeDtypeStruct((M, D), jnp.float32),
            jax.ShapeDtypeStruct((2 * NC * B, D), jnp.float32),
        ),
        input_output_aliases={0: 0},
        scratch_types=[
            pltpu.VMEM_SHARED((ACC, D), jnp.float32),
            pltpu.SemaphoreType.DMA,
            pltpu.SemaphoreType.DMA,
        ],
        compiler_params=pltpu.CompilerParams(
            needs_layout_passes=False, use_tc_tiling_on_sc=False),
    )


@functools.cache
def _build_tc_copy():
    ROWS = M * D // 128
    BLK = 2000

    def body(in_ref, out_ref):
        out_ref[...] = in_ref[...]

    return pl.pallas_call(
        body,
        grid=(ROWS // BLK,),
        in_specs=[pl.BlockSpec((BLK, 128), lambda i: (i, 0))],
        out_specs=pl.BlockSpec((BLK, 128), lambda i: (i, 0)),
        out_shape=jax.ShapeDtypeStruct((ROWS, 128), jnp.float32),
    )


def kernel(items_emb, idx, val):
    idx2 = idx.astype(jnp.int32).reshape(128, 128)
    tbl = _build_tc_copy()(items_emb.reshape(M * D // 128, 128))
    tbl = tbl.reshape(M, D)
    out, _ = _build_sc_update()(tbl, items_emb, idx2, val)
    return out

# --- scband reference (transcript-rebuilt; emitter-appended) ---
"""Pipeline reference for scband-fed-rec-server-15539191677425 (READ-ONLY COPY).

The authoritative reference and input builder live on the scoring server;
editing this copy changes nothing except your own understanding.
"""

import jax, jax.numpy as jnp
import numpy as np

M_ITEM = 1000000
DIM = 32
B = 16384
LR = 0.01
GRAD_LIMIT = 1.0


def setup_inputs(seed: int = 0) -> dict:
    key = jax.random.key(seed)
    k1, k2, k3 = jax.random.split(key, 3)
    # learned parameter: items_emb table, init normal(std=0.01) as in nn.init.normal_
    items_emb = jax.random.normal(k1, (M_ITEM, DIM), dtype=jnp.float32) * 0.01
    # flattened (item_id, grad_row) pairs collected from clients in this round
    idx = jax.random.randint(k2, (B,), 0, M_ITEM, dtype=jnp.int64)
    val = jax.random.normal(k3, (B, DIM), dtype=jnp.float32)
    return {"items_emb": items_emb, "idx": idx, "val": val}


def reference(items_emb, idx, val):
    # NormBound defense: rows with ||g||_2 > grad_limit are rescaled to grad_limit
    norm = jnp.linalg.norm(val, axis=-1, keepdims=True)
    scale = jnp.minimum(1.0, GRAD_LIMIT / jnp.maximum(norm, 1e-12))
    val_clipped = val * scale
    # batch_items_emb_grad[items] += items_emb_grad  (scatter-add over item rows)
    batch_items_emb_grad = jnp.zeros_like(items_emb).at[idx].add(val_clipped)
    # batch_items_cnt[items] += 1, with zeros set to 1 (faithful bookkeeping)
    cnt = jnp.zeros((M_ITEM,), dtype=jnp.int32).at[idx].add(1)
    cnt = jnp.where(cnt == 0, 1, cnt)
    # items_emb.weight.data.add_(batch_items_emb_grad, alpha=-lr)
    new_weight = items_emb - LR * batch_items_emb_grad
    return new_weight

if __name__ == "__main__":
    import jax
    _d = setup_inputs()
    print(jax.jit(kernel)(*tuple(_d.values())))

</pallas_src>

<mosaic_0001>
#map = affine_map<(d0, d1) -> (0, 0)>
module attributes {stable_mosaic.version = 14 : i64} {
  func.func @_sc_update(%arg0: i32, %arg1: i32, %arg2: memref<1000000x32xf32, #tpu.memory_space<hbm>>, %arg3: memref<1000000x32xf32, #tpu.memory_space<hbm>>, %arg4: memref<128x128xi32, #tpu.memory_space<hbm>>, %arg5: memref<16384x32xf32, #tpu.memory_space<hbm>>, %arg6: memref<1000000x32xf32, #tpu.memory_space<hbm>>, %arg7: memref<65536x32xf32, #tpu.memory_space<hbm>>, %arg8: memref<43008x32xf32, #tpu.memory_space<vmem_shared>>, %arg9: memref<!tpu.dma_semaphore, #tpu.memory_space<semaphore_mem>>, %arg10: memref<!tpu.dma_semaphore, #tpu.memory_space<semaphore_mem>>) attributes {dimension_semantics = [#tpu.dimension_semantics<core_parallel>, #tpu.dimension_semantics<subcore_parallel>], iteration_bounds = array<i64: 2, 16>, scalar_prefetch = 0 : i64, scratch_operands = 3 : i64, tpu.core_type = #tpu.core_type<sc_vector_subcore>, window_params = [{transform_indices = #map}, {transform_indices = #map}, {transform_indices = #map}, {transform_indices = #map}, {transform_indices = #map}, {transform_indices = #map}]} {
    "tpu.region"() ({
      %run_scoped3A = memref.alloca() : memref<8x128xi32, #tpu.memory_space<vmem>>
      %run_scoped3A_0 = memref.alloca() : memref<1024xi32, #tpu.memory_space<vmem>>
      %run_scoped3A_1 = memref.alloca() : memref<1024xi32, #tpu.memory_space<vmem>>
      %run_scoped3A_2 = memref.alloca() : memref<1024xi32, #tpu.memory_space<vmem>>
      %run_scoped3A_3 = memref.alloca() : memref<1024x32xf32, #tpu.memory_space<vmem>>
      %run_scoped3A_4 = memref.alloca() : memref<32x32xf32, #tpu.memory_space<vmem>>
      %run_scoped3A_5 = memref.alloca() : memref<128x32xf32, #tpu.memory_space<vmem>>
      %mul3A = arith.constant 8 : i32
      %mul3A_6 = arith.muli %arg1, %mul3A : i32
      "tpu.region"() ({
        %run_scoped3A_35 = tpu.sem_alloc : memref<!tpu.dma_semaphore, #tpu.memory_space<semaphore_mem>>
        %dma_start3A = arith.constant 0 : i32
        %dma_start3A_36 = tpu.memref_slice %arg4[%mul3A_6, %dma_start3A] : memref<128x128xi32, #tpu.memory_space<hbm>> -> memref<8x128xi32, #tpu.memory_space<hbm>>
        %dma_start3A_37 = arith.constant 0 : i32
        %dma_start3A_38 = tpu.memref_slice %arg4[%mul3A_6, %dma_start3A_37] : memref<128x128xi32, #tpu.memory_space<hbm>> -> memref<8x128xi32, #tpu.memory_space<hbm>>
        tpu.enqueue_dma source(%dma_start3A_38 : memref<8x128xi32, #tpu.memory_space<hbm>>) target(%run_scoped3A : memref<8x128xi32, #tpu.memory_space<vmem>>) target_semaphore(%run_scoped3A_35 : memref<!tpu.dma_semaphore, #tpu.memory_space<semaphore_mem>>)
        %dma_wait3A = arith.constant 0 : i32
        %dma_wait3A_39 = tpu.memref_slice %arg4[%mul3A_6, %dma_wait3A] : memref<128x128xi32, #tpu.memory_space<hbm>> -> memref<8x128xi32, #tpu.memory_space<hbm>>
        %dma_wait3A_40 = arith.constant 0 : i32
        %dma_wait3A_41 = tpu.memref_slice %arg4[%mul3A_6, %dma_wait3A_40] : memref<128x128xi32, #tpu.memory_space<hbm>> -> memref<8x128xi32, #tpu.memory_space<hbm>>
        tpu.wait_dma2 semaphore(%run_scoped3A_35 : memref<!tpu.dma_semaphore, #tpu.memory_space<semaphore_mem>>) src(%dma_wait3A_41 : memref<8x128xi32, #tpu.memory_space<hbm>>) dst(%run_scoped3A : memref<8x128xi32, #tpu.memory_space<vmem>>)
        tpu.yield
      }) : () -> ()
      %broadcast_in_dim3A = arith.constant 0.000000e+00 : f32
      %broadcast_in_dim3A_7 = vector.broadcast %broadcast_in_dim3A : f32 to vector<16xf32>
      %scan3A = arith.constant 0 : i32
      %scan3A_8 = arith.constant 0 : i32
      %scan3A_9 = arith.constant 128 : i32
      %scan3A_10 = arith.addi %scan3A_8, %scan3A_9 : i32
      %scan3A_11 = arith.constant 1 : i32
      scf.for %scan3A_35 = %scan3A_8 to %scan3A_10 step %scan3A_11  : i32 {
        %swap3A = arith.index_cast %scan3A_35 : i32 to index
        %swap3A_36 = arith.constant 0 : index
        %swap3A_37 = tpu.vector_load %run_scoped3A_5[%swap3A, %swap3A_36] {strides = array<i32>} : memref<128x32xf32, #tpu.memory_space<vmem>>, vector<16xf32>,
        tpu.vector_store %run_scoped3A_5[%swap3A, %swap3A_36], %broadcast_in_dim3A_7 {strides = array<i32>} : memref<128x32xf32, #tpu.memory_space<vmem>>, vector<16xf32>,
        %swap3A_38 = arith.index_cast %scan3A_35 : i32 to index
        %swap3A_39 = arith.constant 16 : index
        %swap3A_40 = tpu.vector_load %run_scoped3A_5[%swap3A_38, %swap3A_39] {strides = array<i32>} : memref<128x32xf32, #tpu.memory_space<vmem>>, vector<16xf32>,
        tpu.vector_store %run_scoped3A_5[%swap3A_38, %swap3A_39], %broadcast_in_dim3A_7 {strides = array<i32>} : memref<128x32xf32, #tpu.memory_space<vmem>>, vector<16xf32>,
      }
      %scan3A_12 = arith.constant 128 : i32
      %mul3A_13 = arith.constant 16384 : i32
      %mul3A_14 = arith.muli %arg0, %mul3A_13 : i32
      %mul3A_15 = arith.constant 1024 : i32
      %mul3A_16 = arith.muli %arg1, %mul3A_15 : i32
      %add3A = arith.addi %mul3A_14, %mul3A_16 : i32
      %scan3A_17 = arith.constant 0 : i32
      %scan3A_18 = arith.constant 0 : i32
      %scan3A_19 = arith.constant 32 : i32
      %scan3A_20 = arith.addi %scan3A_18, %scan3A_19 : i32
      %scan3A_21 = arith.constant 1 : i32
      scf.for %scan3A_35 = %scan3A_18 to %scan3A_20 step %scan3A_21  : i32 {
        %mul3A_36 = arith.constant 1024 : i32
        %mul3A_37 = arith.muli %arg1, %mul3A_36 : i32
        %mul3A_38 = arith.constant 32 : i32
        %mul3A_39 = arith.muli %scan3A_35, %mul3A_38 : i32
        %add3A_40 = arith.addi %mul3A_37, %mul3A_39 : i32
        "tpu.region"() ({
          %run_scoped3A_61 = tpu.sem_alloc : memref<!tpu.dma_semaphore, #tpu.memory_space<semaphore_mem>>
          %dma_start3A = arith.constant 0 : i32
          %dma_start3A_62 = tpu.memref_slice %arg5[%add3A_40, %dma_start3A] : memref<16384x32xf32, #tpu.memory_space<hbm>> -> memref<32x32xf32, #tpu.memory_space<hbm>>
          %dma_start3A_63 = arith.constant 0 : i32
          %dma_start3A_64 = tpu.memref_slice %arg5[%add3A_40, %dma_start3A_63] : memref<16384x32xf32, #tpu.memory_space<hbm>> -> memref<32x32xf32, #tpu.memory_space<hbm>>
          tpu.enqueue_dma source(%dma_start3A_64 : memref<32x32xf32, #tpu.memory_space<hbm>>) target(%run_scoped3A_4 : memref<32x32xf32, #tpu.memory_space<vmem>>) target_semaphore(%run_scoped3A_61 : memref<!tpu.dma_semaphore, #tpu.memory_space<semaphore_mem>>)
          %dma_wait3A = arith.constant 0 : i32
          %dma_wait3A_65 = tpu.memref_slice %arg5[%add3A_40, %dma_wait3A] : memref<16384x32xf32, #tpu.memory_space<hbm>> -> memref<32x32xf32, #tpu.memory_space<hbm>>
          %dma_wait3A_66 = arith.constant 0 : i32
          %dma_wait3A_67 = tpu.memref_slice %arg5[%add3A_40, %dma_wait3A_66] : memref<16384x32xf32, #tpu.memory_space<hbm>> -> memref<32x32xf32, #tpu.memory_space<hbm>>
          tpu.wait_dma2 semaphore(%run_scoped3A_61 : memref<!tpu.dma_semaphore, #tpu.memory_space<semaphore_mem>>) src(%dma_wait3A_67 : memref<32x32xf32, #tpu.memory_space<hbm>>) dst(%run_scoped3A_4 : memref<32x32xf32, #tpu.memory_space<vmem>>)
          tpu.yield
        }) : () -> ()
        %scan3A_41 = arith.constant 0 : i32
        %scan3A_42 = arith.constant 0 : i32
        %scan3A_43 = arith.constant 32 : i32
        %scan3A_44 = arith.addi %scan3A_42, %scan3A_43 : i32
        %scan3A_45 = arith.constant 1 : i32
        scf.for %scan3A_61 = %scan3A_42 to %scan3A_44 step %scan3A_45  : i32 {
          %get3A = arith.index_cast %scan3A_61 : i32 to index
          %get3A_62 = arith.constant 0 : index
          %get3A_63 = tpu.vector_load %run_scoped3A_4[%get3A, %get3A_62] {strides = array<i32>} : memref<32x32xf32, #tpu.memory_space<vmem>>, vector<16xf32>,
          %get3A_64 = arith.index_cast %scan3A_61 : i32 to index
          %get3A_65 = arith.constant 16 : index
          %get3A_66 = tpu.vector_load %run_scoped3A_4[%get3A_64, %get3A_65] {strides = array<i32>} : memref<32x32xf32, #tpu.memory_space<vmem>>, vector<16xf32>,
          %mul3A_67 = arith.mulf %get3A_63, %get3A_63 : vector<16xf32>
          %mul3A_68 = arith.mulf %get3A_66, %get3A_66 : vector<16xf32>
          %add3A_69 = arith.addf %mul3A_67, %mul3A_68 : vector<16xf32>
          %reduce_sum3A = arith.constant true
          %reduce_sum3A_70 = vector.broadcast %reduce_sum3A : i1 to vector<16xi1>
          %reduce_sum3A_71 = tpu.scan <sum>, %add3A_69 masked %reduce_sum3A_70 : vector<16xf32>, vector<16xi1> -> vector<16xf32>
          %reduce_sum3A_72 = vector.extract %reduce_sum3A_71[15] : f32 from vector<16xf32>
          %broadcast_in_dim3A_73 = vector.broadcast %reduce_sum3A_72 : f32 to vector<16xf32>
          %max3A = arith.constant 1.000000e-24 : f32
          %max3A_74 = vector.broadcast %max3A : f32 to vector<16xf32>
          %max3A_75 = arith.maximumf %broadcast_in_dim3A_73, %max3A_74 : vector<16xf32>
          %bitcast3A = vector.bitcast %max3A_75 : vector<16xf32> to vector<16xi32>
          %shift_right_logical3A = arith.constant 1 : i32
          %shift_right_logical3A_76 = vector.broadcast %shift_right_logical3A : i32 to vector<16xi32>
          %shift_right_logical3A_77 = arith.shrui %bitcast3A, %shift_right_logical3A_76 : vector<16xi32>
          %sub3A = arith.constant 1597463007 : i32
          %sub3A_78 = vector.broadcast %sub3A : i32 to vector<16xi32>
          %sub3A_79 = arith.subi %sub3A_78, %shift_right_logical3A_77 : vector<16xi32>
          %bitcast3A_80 = vector.bitcast %sub3A_79 : vector<16xi32> to vector<16xf32>
          %mul3A_81 = arith.constant 5.000000e-01 : f32
          %mul3A_82 = vector.broadcast %mul3A_81 : f32 to vector<16xf32>
          %mul3A_83 = arith.mulf %mul3A_82, %max3A_75 : vector<16xf32>
          %mul3A_84 = arith.mulf %mul3A_83, %bitcast3A_80 : vector<16xf32>
          %mul3A_85 = arith.mulf %mul3A_84, %bitcast3A_80 : vector<16xf32>
          %sub3A_86 = arith.constant 1.500000e+00 : f32
          %sub3A_87 = vector.broadcast %sub3A_86 : f32 to vector<16xf32>
          %sub3A_88 = arith.subf %sub3A_87, %mul3A_85 : vector<16xf32>
          %mul3A_89 = arith.mulf %bitcast3A_80, %sub3A_88 : vector<16xf32>
          %mul3A_90 = arith.constant 5.000000e-01 : f32
          %mul3A_91 = vector.broadcast %mul3A_90 : f32 to vector<16xf32>
          %mul3A_92 = arith.mulf %mul3A_91, %max3A_75 : vector<16xf32>
          %mul3A_93 = arith.mulf %mul3A_92, %mul3A_89 : vector<16xf32>
          %mul3A_94 = arith.mulf %mul3A_93, %mul3A_89 : vector<16xf32>
          %sub3A_95 = arith.constant 1.500000e+00 : f32
          %sub3A_96 = vector.broadcast %sub3A_95 : f32 to vector<16xf32>
          %sub3A_97 = arith.subf %sub3A_96, %mul3A_94 : vector<16xf32>
          %mul3A_98 = arith.mulf %mul3A_89, %sub3A_97 : vector<16xf32>
          %mul3A_99 = arith.constant 5.000000e-01 : f32
          %mul3A_100 = vector.broadcast %mul3A_99 : f32 to vector<16xf32>
          %mul3A_101 = arith.mulf %mul3A_100, %max3A_75 : vector<16xf32>
          %mul3A_102 = arith.mulf %mul3A_101, %mul3A_98 : vector<16xf32>
          %mul3A_103 = arith.mulf %mul3A_102, %mul3A_98 : vector<16xf32>
          %sub3A_104 = arith.constant 1.500000e+00 : f32
          %sub3A_105 = vector.broadcast %sub3A_104 : f32 to vector<16xf32>
          %sub3A_106 = arith.subf %sub3A_105, %mul3A_103 : vector<16xf32>
          %mul3A_107 = arith.mulf %mul3A_98, %sub3A_106 : vector<16xf32>
          %min3A = arith.constant 1.000000e+00 : f32
          %min3A_108 = vector.broadcast %min3A : f32 to vector<16xf32>
          %min3A_109 = arith.minimumf %min3A_108, %mul3A_107 : vector<16xf32>
          %mul3A_110 = arith.constant -0.00999999977 : f32
          %mul3A_111 = vector.broadcast %mul3A_110 : f32 to vector<16xf32>
          %mul3A_112 = arith.mulf %mul3A_111, %min3A_109 : vector<16xf32>
          %mul3A_113 = arith.mulf %get3A_63, %mul3A_112 : vector<16xf32>
          %swap3A = arith.index_cast %scan3A_61 : i32 to index
          %swap3A_114 = arith.constant 0 : index
          %swap3A_115 = tpu.vector_load %run_scoped3A_4[%swap3A, %swap3A_114] {strides = array<i32>} : memref<32x32xf32, #tpu.memory_space<vmem>>, vector<16xf32>,
          tpu.vector_store %run_scoped3A_4[%swap3A, %swap3A_114], %mul3A_113 {strides = array<i32>} : memref<32x32xf32, #tpu.memory_space<vmem>>, vector<16xf32>,
          %mul3A_116 = arith.mulf %get3A_66, %mul3A_112 : vector<16xf32>
          %swap3A_117 = arith.index_cast %scan3A_61 : i32 to index
          %swap3A_118 = arith.constant 16 : index
          %swap3A_119 = tpu.vector_load %run_scoped3A_4[%swap3A_117, %swap3A_118] {strides = array<i32>} : memref<32x32xf32, #tpu.memory_space<vmem>>, vector<16xf32>,
          tpu.vector_store %run_scoped3A_4[%swap3A_117, %swap3A_118], %mul3A_116 {strides = array<i32>} : memref<32x32xf32, #tpu.memory_space<vmem>>, vector<16xf32>,
        }
        %scan3A_46 = arith.constant 32 : i32
        %mul3A_47 = arith.constant 32 : i32
        %mul3A_48 = arith.muli %scan3A_35, %mul3A_47 : i32
        %add3A_49 = arith.addi %add3A, %mul3A_48 : i32
        "tpu.region"() ({
          %run_scoped3A_61 = tpu.sem_alloc : memref<!tpu.dma_semaphore, #tpu.memory_space<semaphore_mem>>
          %dma_start3A = arith.constant 0 : i32
          %dma_start3A_62 = tpu.memref_slice %arg7[%add3A_49, %dma_start3A] : memref<65536x32xf32, #tpu.memory_space<hbm>> -> memref<32x32xf32, #tpu.memory_space<hbm>>
          %dma_start3A_63 = arith.constant 0 : i32
          %dma_start3A_64 = tpu.memref_slice %arg7[%add3A_49, %dma_start3A_63] : memref<65536x32xf32, #tpu.memory_space<hbm>> -> memref<32x32xf32, #tpu.memory_space<hbm>>
          tpu.enqueue_dma source(%run_scoped3A_4 : memref<32x32xf32, #tpu.memory_space<vmem>>) target(%dma_start3A_64 : memref<32x32xf32, #tpu.memory_space<hbm>>) target_semaphore(%run_scoped3A_61 : memref<!tpu.dma_semaphore, #tpu.memory_space<semaphore_mem>>)
          %dma_wait3A = arith.constant 0 : i32
          %dma_wait3A_65 = tpu.memref_slice %arg7[%add3A_49, %dma_wait3A] : memref<65536x32xf32, #tpu.memory_space<hbm>> -> memref<32x32xf32, #tpu.memory_space<hbm>>
          %dma_wait3A_66 = arith.constant 0 : i32
          %dma_wait3A_67 = tpu.memref_slice %arg7[%add3A_49, %dma_wait3A_66] : memref<65536x32xf32, #tpu.memory_space<hbm>> -> memref<32x32xf32, #tpu.memory_space<hbm>>
          tpu.wait_dma2 semaphore(%run_scoped3A_61 : memref<!tpu.dma_semaphore, #tpu.memory_space<semaphore_mem>>) src(%run_scoped3A_4 : memref<32x32xf32, #tpu.memory_space<vmem>>) dst(%dma_wait3A_67 : memref<32x32xf32, #tpu.memory_space<hbm>>)
          tpu.yield
        }) : () -> ()
        %scan3A_50 = arith.constant 0 : i32
        %scan3A_51 = arith.constant 0 : i32
        %scan3A_52 = arith.constant 32 : i32
        %scan3A_53 = arith.addi %scan3A_51, %scan3A_52 : i32
        %scan3A_54 = arith.constant 1 : i32
        scf.for %scan3A_61 = %scan3A_51 to %scan3A_53 step %scan3A_54  : i32 {
          %get3A = arith.index_cast %scan3A_61 : i32 to index
          %get3A_62 = arith.constant 0 : index
          %get3A_63 = tpu.vector_load %run_scoped3A_4[%get3A, %get3A_62] {strides = array<i32>} : memref<32x32xf32, #tpu.memory_space<vmem>>, vector<16xf32>,
          %neg3A = arith.constant 0.000000e+00 : f32
          %neg3A_64 = vector.broadcast %neg3A : f32 to vector<16xf32>
          %neg3A_65 = arith.subf %neg3A_64, %get3A_63 : vector<16xf32>
          %swap3A = arith.index_cast %scan3A_61 : i32 to index
          %swap3A_66 = arith.constant 0 : index
          %swap3A_67 = tpu.vector_load %run_scoped3A_4[%swap3A, %swap3A_66] {strides = array<i32>} : memref<32x32xf32, #tpu.memory_space<vmem>>, vector<16xf32>,
          tpu.vector_store %run_scoped3A_4[%swap3A, %swap3A_66], %neg3A_65 {strides = array<i32>} : memref<32x32xf32, #tpu.memory_space<vmem>>, vector<16xf32>,
          %get3A_68 = arith.index_cast %scan3A_61 : i32 to index
          %get3A_69 = arith.constant 16 : index
          %get3A_70 = tpu.vector_load %run_scoped3A_4[%get3A_68, %get3A_69] {strides = array<i32>} : memref<32x32xf32, #tpu.memory_space<vmem>>, vector<16xf32>,
          %neg3A_71 = arith.constant 0.000000e+00 : f32
          %neg3A_72 = vector.broadcast %neg3A_71 : f32 to vector<16xf32>
          %neg3A_73 = arith.subf %neg3A_72, %get3A_70 : vector<16xf32>
          %swap3A_74 = arith.index_cast %scan3A_61 : i32 to index
          %swap3A_75 = arith.constant 16 : index
          %swap3A_76 = tpu.vector_load %run_scoped3A_4[%swap3A_74, %swap3A_75] {strides = array<i32>} : memref<32x32xf32, #tpu.memory_space<vmem>>, vector<16xf32>,
          tpu.vector_store %run_scoped3A_4[%swap3A_74, %swap3A_75], %neg3A_73 {strides = array<i32>} : memref<32x32xf32, #tpu.memory_space<vmem>>, vector<16xf32>,
        }
        %scan3A_55 = arith.constant 32 : i32
        %add3A_56 = arith.constant 32768 : i32
        %add3A_57 = arith.addi %add3A_56, %add3A : i32
        %mul3A_58 = arith.constant 32 : i32
        %mul3A_59 = arith.muli %scan3A_35, %mul3A_58 : i32
        %add3A_60 = arith.addi %add3A_57, %mul3A_59 : i32
        "tpu.region"() ({
          %run_scoped3A_61 = tpu.sem_alloc : memref<!tpu.dma_semaphore, #tpu.memory_space<semaphore_mem>>
          %dma_start3A = arith.constant 0 : i32
          %dma_start3A_62 = tpu.memref_slice %arg7[%add3A_60, %dma_start3A] : memref<65536x32xf32, #tpu.memory_space<hbm>> -> memref<32x32xf32, #tpu.memory_space<hbm>>
          %dma_start3A_63 = arith.constant 0 : i32
          %dma_start3A_64 = tpu.memref_slice %arg7[%add3A_60, %dma_start3A_63] : memref<65536x32xf32, #tpu.memory_space<hbm>> -> memref<32x32xf32, #tpu.memory_space<hbm>>
          tpu.enqueue_dma source(%run_scoped3A_4 : memref<32x32xf32, #tpu.memory_space<vmem>>) target(%dma_start3A_64 : memref<32x32xf32, #tpu.memory_space<hbm>>) target_semaphore(%run_scoped3A_61 : memref<!tpu.dma_semaphore, #tpu.memory_space<semaphore_mem>>)
          %dma_wait3A = arith.constant 0 : i32
          %dma_wait3A_65 = tpu.memref_slice %arg7[%add3A_60, %dma_wait3A] : memref<65536x32xf32, #tpu.memory_space<hbm>> -> memref<32x32xf32, #tpu.memory_space<hbm>>
          %dma_wait3A_66 = arith.constant 0 : i32
          %dma_wait3A_67 = tpu.memref_slice %arg7[%add3A_60, %dma_wait3A_66] : memref<65536x32xf32, #tpu.memory_space<hbm>> -> memref<32x32xf32, #tpu.memory_space<hbm>>
          tpu.wait_dma2 semaphore(%run_scoped3A_61 : memref<!tpu.dma_semaphore, #tpu.memory_space<semaphore_mem>>) src(%run_scoped3A_4 : memref<32x32xf32, #tpu.memory_space<vmem>>) dst(%dma_wait3A_67 : memref<32x32xf32, #tpu.memory_space<hbm>>)
          tpu.yield
        }) : () -> ()
      }
      %scan3A_22 = arith.constant 32 : i32
      %scan3A_23 = arith.constant 0 : i32
      %scan3A_24 = arith.constant 0 : i32
      %scan3A_25 = arith.constant 21 : i32
      %scan3A_26 = arith.addi %scan3A_24, %scan3A_25 : i32
      %scan3A_27 = arith.constant 1 : i32
      scf.for %scan3A_35 = %scan3A_24 to %scan3A_26 step %scan3A_27  : i32 {
        %mul3A_36 = arith.constant 2688 : i32
        %mul3A_37 = arith.muli %arg1, %mul3A_36 : i32
        %mul3A_38 = arith.constant 128 : i32
        %mul3A_39 = arith.muli %scan3A_35, %mul3A_38 : i32
        %add3A_40 = arith.addi %mul3A_37, %mul3A_39 : i32
        "tpu.region"() ({
          %run_scoped3A_41 = tpu.sem_alloc : memref<!tpu.dma_semaphore, #tpu.memory_space<semaphore_mem>>
          %dma_start3A = arith.constant 0 : i32
          %dma_start3A_42 = tpu.memref_slice %arg8[%add3A_40, %dma_start3A] : memref<43008x32xf32, #tpu.memory_space<vmem_shared>> -> memref<128x32xf32, #tpu.memory_space<vmem_shared>>
          %dma_start3A_43 = arith.constant 0 : i32
          %dma_start3A_44 = tpu.memref_slice %arg8[%add3A_40, %dma_start3A_43] : memref<43008x32xf32, #tpu.memory_space<vmem_shared>> -> memref<128x32xf32, #tpu.memory_space<vmem_shared>>
          tpu.enqueue_dma source(%run_scoped3A_5 : memref<128x32xf32, #tpu.memory_space<vmem>>) target(%dma_start3A_44 : memref<128x32xf32, #tpu.memory_space<vmem_shared>>) target_semaphore(%run_scoped3A_41 : memref<!tpu.dma_semaphore, #tpu.memory_space<semaphore_mem>>)
          %dma_wait3A = arith.constant 0 : i32
          %dma_wait3A_45 = tpu.memref_slice %arg8[%add3A_40, %dma_wait3A] : memref<43008x32xf32, #tpu.memory_space<vmem_shared>> -> memref<128x32xf32, #tpu.memory_space<vmem_shared>>
          %dma_wait3A_46 = arith.constant 0 : i32
          %dma_wait3A_47 = tpu.memref_slice %arg8[%add3A_40, %dma_wait3A_46] : memref<43008x32xf32, #tpu.memory_space<vmem_shared>> -> memref<128x32xf32, #tpu.memory_space<vmem_shared>>
          tpu.wait_dma2 semaphore(%run_scoped3A_41 : memref<!tpu.dma_semaphore, #tpu.memory_space<semaphore_mem>>) src(%run_scoped3A_5 : memref<128x32xf32, #tpu.memory_space<vmem>>) dst(%dma_wait3A_47 : memref<128x32xf32, #tpu.memory_space<vmem_shared>>)
          tpu.yield
        }) : () -> ()
      }
      %scan3A_28 = arith.constant 21 : i32
      %barrier3A = arith.constant 0 : index
      tpu.barrier barrier_id(%barrier3A)
      %scan3A_29 = arith.constant 0 : i32
      %scan3A_30 = arith.constant 0 : i32
      %scan3A_31 = arith.constant 12 : i32
      %scan3A_32 = arith.addi %scan3A_30, %scan3A_31 : i32
      %scan3A_33 = arith.constant 1 : i32
      scf.for %scan3A_35 = %scan3A_30 to %scan3A_32 step %scan3A_33  : i32 {
        %mul3A_36 = arith.constant 12 : i32
        %mul3A_37 = arith.muli %arg0, %mul3A_36 : i32
        %add3A_38 = arith.addi %mul3A_37, %scan3A_35 : i32
        %mul3A_39 = arith.constant 41984 : i32
        %mul3A_40 = arith.muli %add3A_38, %mul3A_39 : i32
        %iota3A = tpu.iota {dimensions = array<i32: 0>} : vector<16xi32>
        %scan3A_41 = arith.constant 0 : i32
        %scan3A_42 = arith.constant 0 : i32
        %scan3A_43 = arith.constant 8 : i32
        %scan3A_44 = arith.addi %scan3A_42, %scan3A_43 : i32
        %scan3A_45 = arith.constant 1 : i32
        scf.for %scan3A_80 = %scan3A_42 to %scan3A_44 step %scan3A_45  : i32 {
          %scan3A_81 = arith.constant 0 : i32
          %scan3A_82 = arith.constant 8 : i32
          %scan3A_83 = arith.addi %scan3A_81, %scan3A_82 : i32
          %scan3A_84 = arith.constant 1 : i32
          scf.for %scan3A_86 = %scan3A_81 to %scan3A_83 step %scan3A_84  : i32 {
            %mul3A_87 = arith.constant 16 : i32
            %mul3A_88 = arith.muli %scan3A_86, %mul3A_87 : i32
            %get3A = arith.index_cast %scan3A_80 : i32 to index
            %get3A_89 = arith.index_cast %mul3A_88 : i32 to index
            %get3A_90 = tpu.vector_load %run_scoped3A[%get3A, %get3A_89] {strides = array<i32>} : memref<8x128xi32, #tpu.memory_space<vmem>>, vector<16xi32>,
            %ge3A = vector.broadcast %mul3A_40 : i32 to vector<16xi32>
            %ge3A_91 = arith.cmpi sge, %get3A_90, %ge3A : vector<16xi32>
            %add3A_92 = arith.constant 41984 : i32
            %add3A_93 = arith.addi %mul3A_40, %add3A_92 : i32
            %lt3A = vector.broadcast %add3A_93 : i32 to vector<16xi32>
            %lt3A_94 = arith.cmpi slt, %get3A_90, %lt3A : vector<16xi32>
            %and3A = arith.andi %ge3A_91, %lt3A_94 : vector<16xi1>
            %sub3A = vector.broadcast %mul3A_40 : i32 to vector<16xi32>
            %sub3A_95 = arith.subi %get3A_90, %sub3A : vector<16xi32>
            %mul3A_96 = arith.constant 128 : i32
            %mul3A_97 = arith.muli %scan3A_80, %mul3A_96 : i32
            %mul3A_98 = arith.constant 16 : i32
            %mul3A_99 = arith.muli %scan3A_86, %mul3A_98 : i32
            %add3A_100 = arith.addi %mul3A_97, %mul3A_99 : i32
            %add3A_101 = vector.broadcast %add3A_100 : i32 to vector<16xi32>
            %add3A_102 = arith.addi %add3A_101, %iota3A : vector<16xi32>
            %add3A_103 = vector.broadcast %mul3A_40 : i32 to vector<16xi32>
            %add3A_104 = arith.addi %add3A_103, %add3A_102 : vector<16xi32>
            %select_n3A = arith.select %and3A, %get3A_90, %add3A_104 : vector<16xi1>, vector<16xi32>
            %swap3A = arith.index_cast %add3A_100 : i32 to index
            %swap3A_105 = tpu.vector_load %run_scoped3A_0[%swap3A] {strides = array<i32>} : memref<1024xi32, #tpu.memory_space<vmem>>, vector<16xi32>,
            tpu.vector_store %run_scoped3A_0[%swap3A], %select_n3A {strides = array<i32>} : memref<1024xi32, #tpu.memory_space<vmem>>, vector<16xi32>,
            %select_n3A_106 = arith.select %and3A, %sub3A_95, %add3A_102 : vector<16xi1>, vector<16xi32>
            %swap3A_107 = arith.index_cast %add3A_100 : i32 to index
            %swap3A_108 = tpu.vector_load %run_scoped3A_1[%swap3A_107] {strides = array<i32>} : memref<1024xi32, #tpu.memory_space<vmem>>, vector<16xi32>,
            tpu.vector_store %run_scoped3A_1[%swap3A_107], %select_n3A_106 {strides = array<i32>} : memref<1024xi32, #tpu.memory_space<vmem>>, vector<16xi32>,
            %add3A_109 = arith.constant 41984 : i32
            %add3A_110 = vector.broadcast %add3A_109 : i32 to vector<16xi32>
            %add3A_111 = arith.addi %add3A_110, %add3A_102 : vector<16xi32>
            %select_n3A_112 = arith.select %and3A, %sub3A_95, %add3A_111 : vector<16xi1>, vector<16xi32>
            %swap3A_113 = arith.index_cast %add3A_100 : i32 to index
            %swap3A_114 = tpu.vector_load %run_scoped3A_2[%swap3A_113] {strides = array<i32>} : memref<1024xi32, #tpu.memory_space<vmem>>, vector<16xi32>,
            tpu.vector_store %run_scoped3A_2[%swap3A_113], %select_n3A_112 {strides = array<i32>} : memref<1024xi32, #tpu.memory_space<vmem>>, vector<16xi32>,
          }
          %scan3A_85 = arith.constant 8 : i32
        }
        %scan3A_46 = arith.constant 8 : i32
        "tpu.region"() ({
          %run_scoped3A_80 = tpu.sem_alloc : memref<!tpu.dma_semaphore, #tpu.memory_space<semaphore_mem>>
          %dma_start3A_81 = arith.constant 0 : i32
          %dma_start3A_82 = tpu.memref_slice %arg7[%add3A, %dma_start3A_81] : memref<65536x32xf32, #tpu.memory_space<hbm>> -> memref<1024x32xf32, #tpu.memory_space<hbm>>
          %dma_start3A_83 = arith.constant 0 : i32
          %dma_start3A_84 = tpu.memref_slice %arg7[%add3A, %dma_start3A_83] : memref<65536x32xf32, #tpu.memory_space<hbm>> -> memref<1024x32xf32, #tpu.memory_space<hbm>>
          tpu.enqueue_dma source(%dma_start3A_84 : memref<1024x32xf32, #tpu.memory_space<hbm>>) target(%run_scoped3A_3 : memref<1024x32xf32, #tpu.memory_space<vmem>>) target_semaphore(%run_scoped3A_80 : memref<!tpu.dma_semaphore, #tpu.memory_space<semaphore_mem>>)
          %dma_wait3A_85 = arith.constant 0 : i32
          %dma_wait3A_86 = tpu.memref_slice %arg7[%add3A, %dma_wait3A_85] : memref<65536x32xf32, #tpu.memory_space<hbm>> -> memref<1024x32xf32, #tpu.memory_space<hbm>>
          %dma_wait3A_87 = arith.constant 0 : i32
          %dma_wait3A_88 = tpu.memref_slice %arg7[%add3A, %dma_wait3A_87] : memref<65536x32xf32, #tpu.memory_space<hbm>> -> memref<1024x32xf32, #tpu.memory_space<hbm>>
          tpu.wait_dma2 semaphore(%run_scoped3A_80 : memref<!tpu.dma_semaphore, #tpu.memory_space<semaphore_mem>>) src(%dma_wait3A_88 : memref<1024x32xf32, #tpu.memory_space<hbm>>) dst(%run_scoped3A_3 : memref<1024x32xf32, #tpu.memory_space<vmem>>)
          tpu.yield
        }) : () -> ()
        %dma_start3A = arith.constant 0 : i32
        %dma_start3A_47 = arith.constant 0 : i32
        %dma_start3A_48 = tpu.memref_slice %arg8[%dma_start3A, %dma_start3A_47] : memref<43008x32xf32, #tpu.memory_space<vmem_shared>> -> memref<43008x32xf32, #tpu.memory_space<vmem_shared>>
        tpu.enqueue_indirect_dma source(%run_scoped3A_3 : memref<1024x32xf32, #tpu.memory_space<vmem>>) target(%dma_start3A_48 : memref<43008x32xf32, #tpu.memory_space<vmem_shared>>) offsets(%run_scoped3A_2 : memref<1024xi32, #tpu.memory_space<vmem>>) semaphore(%arg9 : memref<!tpu.dma_semaphore, #tpu.memory_space<semaphore_mem>>) {add = true}
        %dma_wait3A = arith.constant 0 : i32
        %dma_wait3A_49 = arith.constant 0 : i32
        %dma_wait3A_50 = tpu.memref_slice %arg8[%dma_wait3A, %dma_wait3A_49] : memref<43008x32xf32, #tpu.memory_space<vmem_shared>> -> memref<43008x32xf32, #tpu.memory_space<vmem_shared>>
        tpu.wait_indirect_dma semaphore(%arg9 : memref<!tpu.dma_semaphore, #tpu.memory_space<semaphore_mem>>) src(%run_scoped3A_3 : memref<1024x32xf32, #tpu.memory_space<vmem>>) dst(%dma_wait3A_50 : memref<43008x32xf32, #tpu.memory_space<vmem_shared>>)
        %barrier3A_51 = arith.constant 0 : index
        tpu.barrier barrier_id(%barrier3A_51)
        %dma_start3A_52 = arith.constant 0 : i32
        %dma_start3A_53 = arith.constant 0 : i32
        %dma_start3A_54 = tpu.memref_slice %arg3[%dma_start3A_52, %dma_start3A_53] : memref<1000000x32xf32, #tpu.memory_space<hbm>> -> memref<1000000x32xf32, #tpu.memory_space<hbm>>
        tpu.enqueue_indirect_dma source(%dma_start3A_54 : memref<1000000x32xf32, #tpu.memory_space<hbm>>) target(%run_scoped3A_3 : memref<1024x32xf32, #tpu.memory_space<vmem>>) offsets(%run_scoped3A_0 : memref<1024xi32, #tpu.memory_space<vmem>>) semaphore(%arg9 : memref<!tpu.dma_semaphore, #tpu.memory_space<semaphore_mem>>)
        %dma_wait3A_55 = arith.constant 0 : i32
        %dma_wait3A_56 = arith.constant 0 : i32
        %dma_wait3A_57 = tpu.memref_slice %arg3[%dma_wait3A_55, %dma_wait3A_56] : memref<1000000x32xf32, #tpu.memory_space<hbm>> -> memref<1000000x32xf32, #tpu.memory_space<hbm>>
        tpu.wait_indirect_dma semaphore(%arg9 : memref<!tpu.dma_semaphore, #tpu.memory_space<semaphore_mem>>) src(%dma_wait3A_57 : memref<1000000x32xf32, #tpu.memory_space<hbm>>) dst(%run_scoped3A_3 : memref<1024x32xf32, #tpu.memory_space<vmem>>)
        %dma_start3A_58 = arith.constant 0 : i32
        %dma_start3A_59 = arith.constant 0 : i32
        %dma_start3A_60 = tpu.memref_slice %arg8[%dma_start3A_58, %dma_start3A_59] : memref<43008x32xf32, #tpu.memory_space<vmem_shared>> -> memref<43008x32xf32, #tpu.memory_space<vmem_shared>>
        tpu.enqueue_indirect_dma source(%dma_start3A_60 : memref<43008x32xf32, #tpu.memory_space<vmem_shared>>) target(%run_scoped3A_3 : memref<1024x32xf32, #tpu.memory_space<vmem>>) offsets(%run_scoped3A_1 : memref<1024xi32, #tpu.memory_space<vmem>>) semaphore(%arg10 : memref<!tpu.dma_semaphore, #tpu.memory_space<semaphore_mem>>) {add = true}
        %dma_wait3A_61 = arith.constant 0 : i32
        %dma_wait3A_62 = arith.constant 0 : i32
        %dma_wait3A_63 = tpu.memref_slice %arg8[%dma_wait3A_61, %dma_wait3A_62] : memref<43008x32xf32, #tpu.memory_space<vmem_shared>> -> memref<43008x32xf32, #tpu.memory_space<vmem_shared>>
        tpu.wait_indirect_dma semaphore(%arg10 : memref<!tpu.dma_semaphore, #tpu.memory_space<semaphore_mem>>) src(%dma_wait3A_63 : memref<43008x32xf32, #tpu.memory_space<vmem_shared>>) dst(%run_scoped3A_3 : memref<1024x32xf32, #tpu.memory_space<vmem>>)
        %barrier3A_64 = arith.constant 0 : index
        tpu.barrier barrier_id(%barrier3A_64)
        %dma_start3A_65 = arith.constant 0 : i32
        %dma_start3A_66 = arith.constant 0 : i32
        %dma_start3A_67 = tpu.memref_slice %arg6[%dma_start3A_65, %dma_start3A_66] : memref<1000000x32xf32, #tpu.memory_space<hbm>> -> memref<1000000x32xf32, #tpu.memory_space<hbm>>
        tpu.enqueue_indirect_dma source(%run_scoped3A_3 : memref<1024x32xf32, #tpu.memory_space<vmem>>) target(%dma_start3A_67 : memref<1000000x32xf32, #tpu.memory_space<hbm>>) offsets(%run_scoped3A_0 : memref<1024xi32, #tpu.memory_space<vmem>>) semaphore(%arg10 : memref<!tpu.dma_semaphore, #tpu.memory_space<semaphore_mem>>)
        %dma_wait3A_68 = arith.constant 0 : i32
        %dma_wait3A_69 = arith.constant 0 : i32
        %dma_wait3A_70 = tpu.memref_slice %arg6[%dma_wait3A_68, %dma_wait3A_69] : memref<1000000x32xf32, #tpu.memory_space<hbm>> -> memref<1000000x32xf32, #tpu.memory_space<hbm>>
        tpu.wait_indirect_dma semaphore(%arg10 : memref<!tpu.dma_semaphore, #tpu.memory_space<semaphore_mem>>) src(%run_scoped3A_3 : memref<1024x32xf32, #tpu.memory_space<vmem>>) dst(%dma_wait3A_70 : memref<1000000x32xf32, #tpu.memory_space<hbm>>)
        %add3A_71 = arith.constant 32768 : i32
        %add3A_72 = arith.addi %add3A_71, %add3A : i32
        "tpu.region"() ({
          %run_scoped3A_80 = tpu.sem_alloc : memref<!tpu.dma_semaphore, #tpu.memory_space<semaphore_mem>>
          %dma_start3A_81 = arith.constant 0 : i32
          %dma_start3A_82 = tpu.memref_slice %arg7[%add3A_72, %dma_start3A_81] : memref<65536x32xf32, #tpu.memory_space<hbm>> -> memref<1024x32xf32, #tpu.memory_space<hbm>>
          %dma_start3A_83 = arith.constant 0 : i32
          %dma_start3A_84 = tpu.memref_slice %arg7[%add3A_72, %dma_start3A_83] : memref<65536x32xf32, #tpu.memory_space<hbm>> -> memref<1024x32xf32, #tpu.memory_space<hbm>>
          tpu.enqueue_dma source(%dma_start3A_84 : memref<1024x32xf32, #tpu.memory_space<hbm>>) target(%run_scoped3A_3 : memref<1024x32xf32, #tpu.memory_space<vmem>>) target_semaphore(%run_scoped3A_80 : memref<!tpu.dma_semaphore, #tpu.memory_space<semaphore_mem>>)
          %dma_wait3A_85 = arith.constant 0 : i32
          %dma_wait3A_86 = tpu.memref_slice %arg7[%add3A_72, %dma_wait3A_85] : memref<65536x32xf32, #tpu.memory_space<hbm>> -> memref<1024x32xf32, #tpu.memory_space<hbm>>
          %dma_wait3A_87 = arith.constant 0 : i32
          %dma_wait3A_88 = tpu.memref_slice %arg7[%add3A_72, %dma_wait3A_87] : memref<65536x32xf32, #tpu.memory_space<hbm>> -> memref<1024x32xf32, #tpu.memory_space<hbm>>
          tpu.wait_dma2 semaphore(%run_scoped3A_80 : memref<!tpu.dma_semaphore, #tpu.memory_space<semaphore_mem>>) src(%dma_wait3A_88 : memref<1024x32xf32, #tpu.memory_space<hbm>>) dst(%run_scoped3A_3 : memref<1024x32xf32, #tpu.memory_space<vmem>>)
          tpu.yield
        }) : () -> ()
        %dma_start3A_73 = arith.constant 0 : i32
        %dma_start3A_74 = arith.constant 0 : i32
        %dma_start3A_75 = tpu.memref_slice %arg8[%dma_start3A_73, %dma_start3A_74] : memref<43008x32xf32, #tpu.memory_space<vmem_shared>> -> memref<43008x32xf32, #tpu.memory_space<vmem_shared>>
        tpu.enqueue_indirect_dma source(%run_scoped3A_3 : memref<1024x32xf32, #tpu.memory_space<vmem>>) target(%dma_start3A_75 : memref<43008x32xf32, #tpu.memory_space<vmem_shared>>) offsets(%run_scoped3A_2 : memref<1024xi32, #tpu.memory_space<vmem>>) semaphore(%arg9 : memref<!tpu.dma_semaphore, #tpu.memory_space<semaphore_mem>>) {add = true}
        %dma_wait3A_76 = arith.constant 0 : i32
        %dma_wait3A_77 = arith.constant 0 : i32
        %dma_wait3A_78 = tpu.memref_slice %arg8[%dma_wait3A_76, %dma_wait3A_77] : memref<43008x32xf32, #tpu.memory_space<vmem_shared>> -> memref<43008x32xf32, #tpu.memory_space<vmem_shared>>
        tpu.wait_indirect_dma semaphore(%arg9 : memref<!tpu.dma_semaphore, #tpu.memory_space<semaphore_mem>>) src(%run_scoped3A_3 : memref<1024x32xf32, #tpu.memory_space<vmem>>) dst(%dma_wait3A_78 : memref<43008x32xf32, #tpu.memory_space<vmem_shared>>)
        %barrier3A_79 = arith.constant 0 : index
        tpu.barrier barrier_id(%barrier3A_79)
      }
      %scan3A_34 = arith.constant 12 : i32
      tpu.yield
    }) : () -> ()
    return
  }
}

module attributes {stable_mosaic.version = 14 : i64} {
  func.func @body(%arg0: i32, %arg1: memref<2000x128xf32, #tpu.memory_space<vmem>>, %arg2: memref<2000x128xf32, #tpu.memory_space<vmem>>) attributes {dimension_semantics = [#tpu.dimension_semantics<arbitrary>], iteration_bounds = array<i64: 125>, scalar_prefetch = 0 : i64, scratch_operands = 0 : i64, tpu.core_type = #tpu.core_type<tc>, window_params = [{transform_indices = @transform_0, window_bounds = array<i64: 2000, 128>}, {transform_indices = @transform_1, window_bounds = array<i64: 2000, 128>}]} {
    %get3A = arith.constant 0 : index
    %get3A_0 = arith.constant 0 : index
    %get3A_1 = vector.load %arg1[%get3A, %get3A_0] : memref<2000x128xf32, #tpu.memory_space<vmem>>, vector<2000x128xf32>
    %swap3A = arith.constant 0 : index
    %swap3A_2 = arith.constant 0 : index
    %swap3A_3 = vector.load %arg2[%swap3A, %swap3A_2] : memref<2000x128xf32, #tpu.memory_space<vmem>>, vector<2000x128xf32>
    tpu.vector_store %arg2[%swap3A, %swap3A_2], %get3A_1 {strides = array<i32>} : memref<2000x128xf32, #tpu.memory_space<vmem>>, vector<2000x128xf32>,
    return
  }
  func.func @transform_0(%arg0: i32) -> (i32, i32) {
    %c0_i32 = arith.constant 0 : i32
    %c0_i32_0 = arith.constant 0 : i32
    return %arg0, %c0_i32 : i32, i32
  }
  func.func @transform_1(%arg0: i32) -> (i32, i32) {
    %c0_i32 = arith.constant 0 : i32
    %c0_i32_0 = arith.constant 0 : i32
    return %arg0, %c0_i32 : i32, i32
  }
}

</mosaic_0001>

<sc_bundles>
// kernel: kernel.4.cloned.1.call-start
scs
__scs_entry_jumppad:
0x0: {  	(pc) =	sbr.rel $0x88, $3  }
0x1: {  	(tag) =	ssettag $0x0;
	lr =	simm.s32 $0x1  }
0x2: {  	[smem:$0x3F9E] =	sst lr;
	_ =	strace $0xD0000000  }
0x3: {  	_ = 	snop  }
0x4: {  	_ = 	snop  }
0x5: {  	_ = 	snop  }
0x6: {  	_ = 	snop  }
0x7: {  	_ = 	snop  }
__scs_overlays_trampoline_lowered:
0x8: {  	[smem:$0x3FAD] =	sst s0  }
0x9: {  	[smem:$0x3FAE] =	sst s1  }
0xa: {  	[smem:$0x3FAF] =	sst s2  }
0xb: {  	[smem:$0x3FB0] =	sst s3  }
0xc: {  	[smem:$0x3FB1] =	sst s4  }
0xd: {  	[smem:$0x3FB2] =	sst s5  }
0xe: {  	[smem:$0x3FB3] =	sst s6  }
0xf: {  	[smem:$0x3FB4] =	sst s7  }
0x10: {  	[smem:$0x3FB5] =	sst s8  }
0x11: {  	[smem:$0x3FB6] =	sst s9;
	s0 =	simm.s32 @!p0 $0x0  }
0x12: {  	s1 =	sld [smem:$0x3F9C];
	s0 =	simm.s32 @p0 $0x1  }
0x13: {  	[smem:$0x3FB7] =	sst s0;
	s0 =	simm.s32 @!p1 $0x0  }
0x14: {  	s2 =	sld [smem:$0x3F9B];
	s0 =	simm.s32 @p1 $0x1  }
0x15: {  	[smem:$0x3FB8] =	sst s0;
	s0 =	simm.s32 @!p2 $0x0  }
0x16: {  	s3 =	sld [smem:$0x3FDB];
	s0 =	simm.s32 @p2 $0x1  }
0x17: {  	s4 =	simm.s32 $0x1BF5;
	[smem:$0x3FBA] =	sst s0  }
0x18: {  	s0 =	sld [smem:$0x3F9D];
	_ =	swait.ge [sflag:s4], $0x0  }
0x19: {  	s7 =	sld [smem:$0x3F9E]  }
0x1a: {  	s8 =	sadd.s32 $0xFFFFE003, lr  }
0x1b: {  	s9 =	sadd.s32 $0xFFFFFEF7, lr;
	s5 =	simm.s32 $0xFFFFFFFF;
	p2 =	slt.u32 s8, $0xFFFFF086  }
0x1c: {  	p1 =	slt.u32 s9, $0xF7A;
	s5 =	simm.s32 @!p2 $0x0  }
0x1d: {  	s5 =	simm.s32 @p1 $0x1;
	p0 =	seq.s32 s7, s2  }
0x1e: {  	s7 =	smul.u32 @!p0 $0xF7A, s2;
	p2 =	seq.s32 @!p0 s5, $0x0  }
0x1f: {  	s9 =	smul.u32 $0xF7A, s1;
	s8 =	simm.s32 @!p0 $0x1BF5;
	p2 =	por !p2, p0  }
0x20: {  	[sflag:s8] =	ssyncset.s32 @!p0 $0xFFFFF086;
	s6 =	sadd.s32 @!p0 s3, s7;
	s7 =	simm.s32 @!p0 $0x108  }
0x21: {  	s3 =	sadd.s32 s3, s9;
	s6 =	sadd.s32 @!p0 $0x88, s6;
	s7 =	simm.s32 @p2 $0x1082  }
0x22: {  	[simem:s7], [sflag:s8] =	dma.local @!p0 [hbm:s6], $0xF7A  }
0x23: {  	s9 =	sor.u32 $0xD0000000, s2;
	s6 =	simm.s32 $0x108;
	_ =	swait.ge @!p0 [sflag:s8], $0x0  }
0x24: {  	s3 =	sadd.s32 $0x88, s3;
	s6 =	simm.s32 @!p1 $0x1082;
	[sflag:s4] =	ssyncset.s32 $0xFFFFF086  }
0x25: {  	[simem:s6], [sflag:s4] =	dma.local [hbm:s3], $0xF7A  }
0x26: {  	[smem:$0x3F9E] =	sst s1;
	(tag) =	ssettag s2;
	_ =	strace s9  }
0x27: {  	s1 =	sld [smem:$0x3FAE]  }
0x28: {  	s2 =	sld [smem:$0x3FAF]  }
0x29: {  	s4 =	sld [smem:$0x3FB1]  }
0x2a: {  	p0 =	seq.s32 s5, $0x0;
	s5 =	sld [smem:$0x3FB2]  }
0x2b: {  	s6 =	sld [smem:$0x3FB3]  }
0x2c: {  	s7 =	sld [smem:$0x3FB4]  }
0x2d: {  	s3 =	simm.s32 $0x108;
	s8 =	sld [smem:$0x3FB5]  }
0x2e: {  	s3 =	simm.s32 @!p0 $0x1082;
	s9 =	sld [smem:$0x3FB6]  }
0x2f: {  	lr =	sadd.s32 s0, s3;
	s0 =	sld [smem:$0x3FAD]  }
0x30: {  	s3 =	sld [smem:$0x3FB0]  }
0x31: {  	[smem:$0x3FB9] =	sst s10  }
0x32: {  	s10 =	sld [smem:$0x3FB7];
	_ =	sdelay $0x3  }
0x33: {  	p0 =	seq.s32 s10, $0x1;
	s10 =	sld [smem:$0x3FB9];
	_ =	sdelay $0x3  }
0x34: {  	[smem:$0x3FB9] =	sst s10  }
0x35: {  	s10 =	sld [smem:$0x3FB8];
	_ =	sdelay $0x3  }
0x36: {  	p1 =	seq.s32 s10, $0x1;
	s10 =	sld [smem:$0x3FB9];
	_ =	sdelay $0x3  }
0x37: {  	[smem:$0x3FB9] =	sst s10  }
0x38: {  	s10 =	sld [smem:$0x3FBA]  }
0x39: {  	_ = 	snop;
	(pc) =	sbr.ind lr, $3  }
0x3a: {  	_ = 	snop  }
0x3b: {  	_ = 	snop  }
0x3c: {  	p2 =	seq.s32 s10, $0x1;
	s10 =	sld [smem:$0x3FB9]  }
0x3d: {  	_ =	shalt  }
0x3e: {  	_ =	shalt  }
0x3f: {  	_ =	shalt  }
0x40: {  	_ =	shalt  }
0x41: {  	_ =	shalt  }
0x42: {  	_ =	shalt  }
0x43: {  	_ =	shalt  }
0x44: {  	_ =	shalt  }
0x45: {  	_ =	shalt  }
0x46: {  	_ =	shalt  }
0x47: {  	_ =	shalt  }
0x48: {  	_ =	shalt  }
0x49: {  	_ =	shalt  }
0x4a: {  	_ =	shalt  }
0x4b: {  	_ =	shalt  }
0x4c: {  	_ =	shalt  }
0x4d: {  	_ =	shalt  }
0x4e: {  	_ =	shalt  }
0x4f: {  	_ =	shalt  }
0x50: {  	_ =	shalt  }
0x51: {  	_ =	shalt  }
0x52: {  	_ =	shalt  }
0x53: {  	_ =	shalt  }
0x54: {  	_ =	shalt  }
0x55: {  	_ =	shalt  }
0x56: {  	_ =	shalt  }
0x57: {  	_ =	shalt  }
0x58: {  	_ =	shalt  }
0x59: {  	_ =	shalt  }
0x5a: {  	_ =	shalt  }
0x5b: {  	_ =	shalt  }
0x5c: {  	_ =	shalt  }
0x5d: {  	_ =	shalt  }
0x5e: {  	_ =	shalt  }
0x5f: {  	_ =	shalt  }
0x60: {  	_ =	shalt  }
0x61: {  	_ =	shalt  }
0x62: {  	_ =	shalt  }
0x63: {  	_ =	shalt  }
0x64: {  	_ =	shalt  }
0x65: {  	_ =	shalt  }
0x66: {  	_ =	shalt  }
0x67: {  	_ =	shalt  }
0x68: {  	_ =	shalt  }
0x69: {  	_ =	shalt  }
0x6a: {  	_ =	shalt  }
0x6b: {  	_ =	shalt  }
0x6c: {  	_ =	shalt  }
0x6d: {  	_ =	shalt  }
0x6e: {  	_ =	shalt  }
0x6f: {  	_ =	shalt  }
0x70: {  	_ =	shalt  }
0x71: {  	_ =	shalt  }
0x72: {  	_ =	shalt  }
0x73: {  	_ =	shalt  }
0x74: {  	_ =	shalt  }
0x75: {  	_ =	shalt  }
0x76: {  	_ =	shalt  }
0x77: {  	_ =	shalt  }
0x78: {  	_ =	shalt  }
0x79: {  	_ =	shalt  }
0x7a: {  	_ =	shalt  }
0x7b: {  	_ =	shalt  }
0x7c: {  	_ =	shalt  }
0x7d: {  	_ =	shalt  }
0x7e: {  	_ =	shalt  }
0x7f: {  	_ =	shalt  }
0x80: {  	_ =	shalt  }
0x81: {  	_ =	shalt  }
0x82: {  	_ =	shalt  }
0x83: {  	_ =	shalt  }
0x84: {  	_ =	shalt  }
0x85: {  	_ =	shalt  }
0x86: {  	_ =	shalt  }
0x87: {  	_ =	shalt  }
.Lfunc_end0:
.L_simem_size_0:
called_computation.1_lowered:
.L_overlay_start_0:
0x88: {  	s2 =	sld [smem:$0x3FD9]  }
0x89: {  	s3 =	sld [smem:$0x3FFE];
	_ =	sdelay $0x1  }
0x8a: {  	s1 =	srdreg.scid  }
0x8b: {  	s0 =	sand.u32 $0x1, s1  }
0x8c: {  	s17 =	sshll.u32 s0, $0xA;
	s2 =	sadd.s32 s3, s2  }
0x8d: {  	s2 =	sadd.s32 s2, s17  }
0x8e: {  	[smem:$0x3FC5] =	sst s2  }
0x8f: {  	_ = 	snop  }
0x90: {  	s2 =	sld [smem:$0x3FC8]  }
0x91: {  	s18 =	sld [smem:$0x3FD0];
	(tm) =	ssettm $0x1  }
0x92: {  	s4 =	sld [smem:$0x3FFB];
	_ =	sdelay $0x3  }
0x93: {  	_ =	strace s4  }
0x94: {  	s4 =	sld [smem:$0x3FFC];
	_ =	sdelay $0x3  }
0x95: {  	_ =	strace s4  }
0x96: {  	s4 =	sld [smem:$0x3FFD];
	_ =	sdelay $0x3  }
0x97: {  	_ =	strace s4  }
0x98: {  	_ =	strace $0x8FFFFFFF  }
0x99: {  	s19 =	sld [smem:$0x3FDB];
	_ =	sdelay $0x1  }
0x9a: {  	s5 =	simm.s32 $_scs_section_size  }
0x9b: {  	s6 =	simm.s32 $_size__tile_overlayer_lowered;
	s7 =	simm.s32 $_tile_overlayer_lowered  }
0x9c: {  	s22 =	simm.s32 $0x1BFF;
	s21 =	sshll.u32 s7, $0x1;
	s4 =	sadd.s32 s5, s19  }
0x9d: {  	s8 =	simm.s32 $0x0;
	s20 =	sshll.u32 s6, $0x1;
	s6 =	sadd.s32 s21, s4  }
0x9e: {  	[timem:s8], [sflag:s22] =	dma.local [hbm:s6], s20  }
0x9f: {  	_ =	swait.ge [sflag:s22], s20  }
0xa0: {  	s5 =	ssub.s32 $0x0, s20;
	[sflag:s22] =	ssyncset.done $0x0  }
0xa1: {  	[sflag:s22] =	ssyncadd.s32 s5;
	_ =	sdelay $0x1  }
0xa2: {  	s23 =	simm.s32 $0x1B8B  }
0xa3: {  	_ =	swait.ge [sflag:s23], $0x1  }
0xa4: {  	[sflag:s23] =	ssyncset.done $0x0  }
0xa5: {  	s25 =	simm.s32 $0x1B8E;
	s24 =	sld [smem:$0x3FFE];
	[sflag:s23] =	ssyncadd.s32 $0xFFFFFFFF  }
0xa6: {  	s26 =	simm.s32 $execute0_lowered;
	[smem:$0x3FD2] =	sst s25  }
0xa7: {  	s6 =	sshll.u32 s26, $0x1;
	_ =	strace $0x80000046;
	[dreg:$0x1] =	wrdreg $0xFFFFFFFF  }
0xa8: {  	s28 =	simm.s32 $_size_execute0_lowered;
	s4 =	sadd.s32 s4, s6;
	[dreg:$0x0] =	wrdreg $0x0  }
0xa9: {  	s6 =	sshll.u32 s28, $0x1;
	[dreg:$0x2] =	wrdreg s4  }
0xaa: {  	[dreg:$0x3] =	wrdreg s6  }
0xab: {  	[dreg:$0x4] =	wrdreg $0xC0  }
0xac: {  	_ =	task [dreg:s8], $0x5FFFF  }
0xad: {  	[dreg:$0x1] =	wrdreg $0xFFFFFFFF  }
0xae: {  	[dreg:$0x0] =	wrdreg $0x60  }
0xaf: {  	[dreg:$0x2] =	wrdreg s24  }
0xb0: {  	[dreg:$0x3] =	wrdreg s2  }
0xb1: {  	[dreg:$0x4] =	wrdreg s18  }
0xb2: {  	[dreg:$0x5] =	wrdreg $0x0  }
0xb3: {  	[dreg:$0x6] =	wrdreg $0x9  }
0xb4: {  	_ =	task.clear_ibuf [dreg:s8], $0x7FFFF;
	_ =	strace $0x90000046  }
0xb5: {  	s29 =	simm.s32 $0x9;
	_ =	strace $0x80000048  }
0xb6: {  	_ =	swait.ge [sflag:s29], $0x1  }
0xb7: {  	[sflag:s29] =	ssyncadd.s32 $0xFFFFFFFF  }
0xb8: {  	_ =	strace $0x90000048  }
0xb9: {  	_ =	sfence  }
0xba: {  	s30 =	sld [smem:$0x0];
	_ =	sdelay $0x2  }
0xbb: {  	s31 =	sshll.u32 s1, $0xD;
	s1 =	sshrl.u32 s1, $0x2  }
0xbc: {  	s3 =	sand.u32 $0x4000, s31;
	s1 =	sadd.s32 s1, s30  }
0xbd: {  	s0 =	sor.u32 s3, s0;
	s1 =	sshll.u32 s1, $0x11  }
0xbe: {  	s0 =	sor.u32 s1, s0  }
0xbf: {  	s0 =	sadd.s32 $0x8F2B, s0  }
0xc0: {  	[sflag:s0] =	ssyncadd.remote.s32 $0x1  }
0xc1: {  	_ =	sfence.sel $0xFFFF  }
0xc2: {  	[dreg:$0x0] =	wrdreg $0xFFFFFFFF;
	(pc) =	sbr.abs _section_cstart, $3  }
0xc3: {  	[dreg:$0x1] =	wrdreg $0xFFFFFFFF  }
0xc4: {  	_ =	task.clear_ibuf [dreg:s8], $0x2FFFF;
	_ =	strace $0x9FFFFFFF  }
0xc5: {  	(tm) =	ssettm $0x7FFFFFFF  }
tec
execute0_lowered:
.L_overlay_start_1:
0x0: {  	(tag) =	ssettag $0x1  }
0x1: {  	s0 =	rddreg [dreg:$0x0]  }
0x2: {  	s1 =	rddreg [dreg:$0x1]  }
0x3: {  	s17 =	rddreg [dreg:$0x2]  }
0x4: {  	s2 =	rddreg [dreg:$0x3];
	s3 =	simm.s32 $0x0;
	s4 =	srdreg.scid  }
0x5: {  	s12 =	stileid.u32;
	[smem:$0x7FF] =	sst s3;
	s5 =	sadd.s32 $0xF43200, s0  }
0x6: {  	s4 =	sand.u32 $0x1, s4;
	s6 =	sadd.s32 $0x3D1800, s0;
	s23 =	smul.u32 $0x54000, s12  }
0x7: {  	s10 =	sshll.u32 s12, $0x7;
	_ =	strace $0x80000047;
	s8 =	ssub.s32 $0x2, s4  }
0x8: {  	s1 =	sadd.s32 s1, s10;
	s9 =	sshrl.u32 s8, $0x1;
	s24 =	sshrl.u32 s23, $0x2  }
0x9: {  	[dreg:$0x5] =	wrdreg s1;
	s22 =	ssub.s32 s8, s9;
	s9 =	sadd.s32 s24, s2  }
0xa: {  	s7 =	sadd.s32 $0xE00, s0;
	s0 =	smax.u32 s22, $0x1;
	[dreg:$0x6] =	wrdreg s9  }
0xb: {  	s26 =	sadd.s32 $0x1000, s9;
	[dreg:$0x7] =	wrdreg s0  }
0xc: {  	s28 =	sadd.s32 $0x2000, s9;
	[dreg:$0x8] =	wrdreg s26  }
0xd: {  	s30 =	sadd.s32 $0x3000, s9;
	[dreg:$0x9] =	wrdreg s28  }
0xe: {  	s31 =	sadd.s32 $0x4000, s9;
	[dreg:$0xa] =	wrdreg s30  }
0xf: {  	s11 =	sshll.u32 s4, $0xE;
	s1 =	sadd.s32 $0x5000, s9;
	[dreg:$0xb] =	wrdreg s31  }
0x10: {  	s13 =	smul.u32 $0xC, s4;
	s4 =	sadd.s32 $0x6000, s9;
	[dreg:$0xc] =	wrdreg s1  }
0x11: {  	s8 =	sshll.u32 s12, $0xA;
	s12 =	sadd.s32 $0x7000, s9;
	[dreg:$0xd] =	wrdreg s4  }
0x12: {  	s16 =	sadd.s32 $0x8000, s9;
	[dreg:$0xe] =	wrdreg s12  }
0x13: {  	s18 =	sadd.s32 $0x9000, s9;
	[dreg:$0xf] =	wrdreg s16  }
0x14: {  	s19 =	sadd.s32 $0xA000, s9;
	[dreg:$0x10] =	wrdreg s18  }
0x15: {  	s20 =	sadd.s32 $0xB000, s9;
	[dreg:$0x11] =	wrdreg s19  }
0x16: {  	s29 =	simm.s32 $0x2;
	s21 =	sadd.s32 $0xC000, s9;
	[dreg:$0x12] =	wrdreg s20  }
0x17: {  	s10 =	sor.u32 s8, s11;
	s22 =	sadd.s32 $0xD000, s9;
	[dreg:$0x13] =	wrdreg s21  }
0x18: {  	s11 =	sadd.s32 $0x20000, s17;
	s23 =	sadd.s32 $0xE000, s9;
	[dreg:$0x14] =	wrdreg s22  }
0x19: {  	s24 =	sadd.s32 $0xF000, s9;
	s25 =	sshll.u32 s10, $0x2;
	[dreg:$0x15] =	wrdreg s23  }
0x1a: {  	[dreg:$0x16] =	wrdreg s24;
	s26 =	sadd.s32 $0x11000, s9;
	s28 =	sadd.s32 $0x12000, s9  }
0x1b: {  	s30 =	sadd.s32 $0x13000, s9;
	s31 =	sadd.s32 $0x14000, s9;
	s19 =	simm.s32 $0x3  }
0x1c: {  	s20 =	simm.s32 $0x1E000;
	s22 =	simm.s32 $0x16000;
	[dreg:$0x18] =	wrdreg s26  }
0x1d: {  	s23 =	simm.s32 $0x400;
	s24 =	simm.s32 $0x15C00;
	[dreg:$0x19] =	wrdreg s28  }
0x1e: {  	s1 =	simm.s32 $0x0;
	s14 =	sadd.s32 s17, s25;
	[dreg:$0x1a] =	wrdreg s30  }
0x1f: {  	v0 =	vlaneseq.u32;
	s15 =	sadd.s32 s25, s11;
	s25 =	sadd.s32 $0x10000, s9;
	[dreg:$0x1b] =	wrdreg s31  }
0x20: {  	v1 =	vimm.f32 $0.0e+00;
	v2 =	vor.u32 $0xA400, v0;
	s26 =	simm.s32 $0x15400;
	[dreg:$0x17] =	wrdreg s25;
	s25 =	simm.s32 $0x1  }
.LBB2_1:
0x21: {  	[dreg:$0x1c] =	wrdreg s1  }
0x22: {  	s0 =	rddreg [dreg:$0x5];
	s31 =	simm.s32 $0x15000  }
0x23: {  	[tilespmem:s31], [sflag:$0x3] =	stream.linear.gather [hbm4b:s0+s3], $0x400, $0x38;
	[tilespmem:$0x1F400] =	vst v63  }
0x24: {  	_ =	swait.ge [sflag:s19], $0x400  }
0x25: {  	[sflag:s19] =	ssyncset.done $0x0  }
0x26: {  	s1 =	simm.s32 $0x0;
	s0 =	simm.s32 $0x80;
	[sflag:s19] =	ssyncadd.s32 $0xFFFFFC00  }
.LBB2_2:
0x27: {  	p0 =	sne.s32 s0, $0x3F80;
	[tilespmem:s1+$0x1E400] =	vst v1;
	s4 =	smov.u32 s0;
	s0 =	sadd.s32 $0x80, s0  }
.Ltmp0:
0x28: {  	[tilespmem:s1+$0x1E410] =	vst v1;
	(pc) =	sbr.rel @p0 .LBB2_2-.Ltmp0, $2  }
0x29: {  	_ =	sdelay $0x2  }
0x2a: {  	s1 =	sshra.s32 s4, $0x2  }
0x2b: {  	[tilespmem:s1+$0x1E400] =	vst v1  }
0x2c: {  	s31 =	simm.s32 $0x0;
	[tilespmem:s1+$0x1E410] =	vst v1;
	s0 =	simm.s32 $0x0  }
.LBB2_4:
0x2d: {  	s4 =	sshll.u32 s0, $0x5  }
0x2e: {  	s1 =	sadd.s32 s8, s4  }
0x2f: {  	s1 =	sshll.u32 s1, $0x2  }
0x30: {  	s1 =	sadd.s32 s6, s1  }
0x31: {  	[tilespmem:s20], [sflag:$0x3] =	stream.linear.gather [hbm4b:s1+s31], $0x400, $0x38;
	[tilespmem:$0x1F400] =	vst v63  }
0x32: {  	_ =	swait.ge [sflag:s19], $0x400  }
0x33: {  	[sflag:s19] =	ssyncset.done $0x0  }
0x34: {  	s9 =	simm.s32 $0x0;
	[sflag:s19] =	ssyncadd.s32 $0xFFFFFC00  }
0x35: {  	v3 =	vld [tilespmem:s9+$0x1E000]  }
0x36: {  	v5 =	vld [tilespmem:s9+$0x1E010];
	_ =	sdelay $0x4  }
0x37: {  	v4 =	vmul.f32 v3, v3;
	v6 =	vmul.f32 v5, v5;
	_ =	sdelay $0x1  }
0x38: {  	v4 =	vadd.f32 v6, v4;
	_ =	sdelay $0x1  }
0x39: {  	(xrf2) =	vadd.scan.msk.f32 $0xffff, v4;
	_ =	sdelay $0x9  }
0x3a: {  	v4, _, _ =	vpop (xrf2)  }
0x3b: {  	v4 =	vmax.f32 v4, $1.000000020e-24  }
0x3c: {  	v4 =	vbroadcast v4, $0xF;
	_ =	sdelay $0x1  }
0x3d: {  	v6 =	vshrl.u32 v4, $0x1;
	v4 =	vmul.f32 $5.000000000e-01, v4  }
0x3e: {  	v6 =	vsub.s32 $0x5F3759DF, v6  }
0x3f: {  	v7 =	vmul.f32 v6, v4;
	_ =	sdelay $0x1  }
0x40: {  	v7 =	vmul.f32 v6, v7;
	_ =	sdelay $0x1  }
0x41: {  	v7 =	vsub.f32 $1.500000000e+00, v7;
	_ =	sdelay $0x1  }
0x42: {  	v6 =	vmul.f32 v6, v7;
	_ =	sdelay $0x1  }
0x43: {  	v7 =	vmul.f32 v6, v4;
	_ =	sdelay $0x1  }
0x44: {  	v7 =	vmul.f32 v7, v6;
	_ =	sdelay $0x1  }
0x45: {  	v7 =	vsub.f32 $1.500000000e+00, v7;
	_ =	sdelay $0x1  }
0x46: {  	v6 =	vmul.f32 v7, v6;
	_ =	sdelay $0x1  }
0x47: {  	v4 =	vmul.f32 v6, v4;
	_ =	sdelay $0x1  }
0x48: {  	v4 =	vmul.f32 v4, v6;
	_ =	sdelay $0x1  }
0x49: {  	v4 =	vsub.f32 $1.500000000e+00, v4;
	_ =	sdelay $0x1  }
0x4a: {  	v4 =	vmul.f32 v4, v6;
	_ =	sdelay $0x1  }
0x4b: {  	v4 =	vmin.f32 v4, $1.000000000e+00  }
0x4c: {  	v6 =	vmul.f32 $-9.999999770e-03, v4;
	_ =	sdelay $0x1  }
0x4d: {  	s16 =	simm.s32 $0x80;
	v4 =	vmul.f32 v6, v3;
	v3 =	vmul.f32 v6, v5  }
.LBB2_5:
0x4e: {  	p0 =	sne.s32 s16, $0xF80;
	s1 =	smov.u32 s16;
	s16 =	sadd.s32 $0x80, s16  }
0x4f: {  	s1 =	sshra.s32 s1, $0x2;
	[tilespmem:s9+$0x1E000] =	vst v4  }
0x50: {  	v4 =	vld [tilespmem:s1+$0x1E000];
	[tilespmem:s9+$0x1E010] =	vst v3;
	s9 =	smov.u32 s1  }
0x51: {  	v3 =	vld [tilespmem:s9+$0x1E010];
	_ =	sdelay $0x3  }
0x52: {  	v5 =	vmul.f32 v4, v4  }
0x53: {  	v6 =	vmul.f32 v3, v3;
	_ =	sdelay $0x1  }
0x54: {  	v5 =	vadd.f32 v6, v5;
	_ =	sdelay $0x1  }
0x55: {  	(xrf2) =	vadd.scan.msk.f32 $0xffff, v5;
	_ =	sdelay $0x9  }
0x56: {  	v5, _, _ =	vpop (xrf2)  }
0x57: {  	v5 =	vmax.f32 v5, $1.000000020e-24  }
0x58: {  	v5 =	vbroadcast v5, $0xF;
	_ =	sdelay $0x1  }
0x59: {  	v6 =	vshrl.u32 v5, $0x1;
	v5 =	vmul.f32 $5.000000000e-01, v5  }
0x5a: {  	v6 =	vsub.s32 $0x5F3759DF, v6  }
0x5b: {  	v7 =	vmul.f32 v6, v5;
	_ =	sdelay $0x1  }
0x5c: {  	v7 =	vmul.f32 v6, v7;
	_ =	sdelay $0x1  }
0x5d: {  	v7 =	vsub.f32 $1.500000000e+00, v7;
	_ =	sdelay $0x1  }
0x5e: {  	v6 =	vmul.f32 v6, v7;
	_ =	sdelay $0x1  }
0x5f: {  	v7 =	vmul.f32 v6, v5;
	_ =	sdelay $0x1  }
0x60: {  	v7 =	vmul.f32 v7, v6;
	_ =	sdelay $0x1  }
0x61: {  	v7 =	vsub.f32 $1.500000000e+00, v7;
	_ =	sdelay $0x1  }
0x62: {  	v6 =	vmul.f32 v7, v6;
	_ =	sdelay $0x1  }
0x63: {  	v5 =	vmul.f32 v6, v5;
	_ =	sdelay $0x1  }
0x64: {  	v5 =	vmul.f32 v5, v6;
	_ =	sdelay $0x1  }
0x65: {  	v5 =	vsub.f32 $1.500000000e+00, v5;
	_ =	sdelay $0x1  }
0x66: {  	v5 =	vmul.f32 v5, v6  }
.Ltmp1:
0x67: {  	(pc) =	sbr.rel @p0 .LBB2_5-.Ltmp1, $3  }
0x68: {  	v5 =	vmin.f32 v5, $1.000000000e+00  }
0x69: {  	v5 =	vmul.f32 $-9.999999770e-03, v5;
	_ =	sdelay $0x1  }
0x6a: {  	v4 =	vmul.f32 v5, v4;
	v3 =	vmul.f32 v5, v3  }
0x6b: {  	s1 =	sor.u32 s10, s4  }
0x6c: {  	[tilespmem:s9+$0x1E000] =	vst v4;
	s4 =	sshll.u32 s1, $0x2  }
0x6d: {  	s30 =	simm.s32 $0x0;
	[tilespmem:s9+$0x1E010] =	vst v3;
	s1 =	sadd.s32 s17, s4  }
0x6e: {  	[hbm4b:s1+s30] =	stream.linear.scatter [tilespmem:s20], [sflag:$0x3], $0x400, $0x38;
	[tilespmem:$0x1F400] =	vst v63  }
0x6f: {  	_ =	swait.ge [sflag:s19], $0x400  }
0x70: {  	[sflag:s19] =	ssyncset.done $0x0  }
0x71: {  	s1 =	simm.s32 $0x0;
	[sflag:s19] =	ssyncadd.s32 $0xFFFFFC00  }
0x72: {  	s9 =	simm.s32 $0x80;
	v3 =	vld [tilespmem:s1+$0x1E000]  }
.LBB2_7:
0x73: {  	p0 =	sne.s32 s9, $0xF80;
	v4 =	vld [tilespmem:s1+$0x1E010];
	_ =	sdelay $0x2  }
.Ltmp2:
0x74: {  	(pc) =	sbr.rel @p0 .LBB2_7-.Ltmp2, $4  }
0x75: {  	v3 =	vsub.f32 $0.0e+00, v3  }
0x76: {  	v4 =	vsub.f32 $0.0e+00, v4  }
0x77: {  	s12 =	sshra.s32 s9, $0x2;
	[tilespmem:s1+$0x1E000] =	vst v3  }
0x78: {  	s9 =	sadd.s32 $0x80, s9;
	v3 =	vld [tilespmem:s12+$0x1E000];
	[tilespmem:s1+$0x1E010] =	vst v4;
	s1 =	smov.u32 s12  }
0x79: {  	v4 =	vld [tilespmem:s1+$0x1E010];
	_ =	sdelay $0x3  }
0x7a: {  	v3 =	vsub.f32 $0.0e+00, v3  }
0x7b: {  	s0 =	sadd.s32 $0x1, s0;
	v4 =	vsub.f32 $0.0e+00, v4  }
0x7c: {  	p0 =	sne.s32 s0, $0x20;
	[tilespmem:s1+$0x1E000] =	vst v3  }
.Ltmp3:
0x7d: {  	s30 =	sadd.s32 s4, s11;
	[tilespmem:s1+$0x1E010] =	vst v4;
	(pc) =	sbr.rel @p0 .LBB2_4-.Ltmp3, $4  }
0x7e: {  	[hbm4b:s30+s3] =	stream.linear.scatter [tilespmem:s20], [sflag:$0x3], $0x400, $0x38;
	[tilespmem:$0x1F400] =	vst v63  }
0x7f: {  	_ =	swait.ge [sflag:s19], $0x400  }
0x80: {  	[sflag:s19] =	ssyncset.done $0x0  }
0x81: {  	[sflag:s19] =	ssyncadd.s32 $0xFFFFFC00  }
0x82: {  	s0 =	rddreg [dreg:$0x6];
	s1 =	simm.s32 $0x1E400  }
0x83: {  	[spmem:s0] =	stream.linear.scatter [tilespmem:s1], [sflag:$0x3], $0x1000, $0x38;
	[tilespmem:$0x1F400] =	vst v63  }
0x84: {  	_ =	swait.ge [sflag:s19], $0x1000  }
0x85: {  	[sflag:s19] =	ssyncset.done $0x0  }
0x86: {  	s4 =	rddreg [dreg:$0x8];
	[sflag:s19] =	ssyncadd.s32 $0xFFFFF000  }
0x87: {  	[spmem:s4] =	stream.linear.scatter [tilespmem:s1], [sflag:$0x3], $0x1000, $0x38;
	[tilespmem:$0x1F400] =	vst v63  }
0x88: {  	_ =	swait.ge [sflag:s19], $0x1000  }
0x89: {  	[sflag:s19] =	ssyncset.done $0x0  }
0x8a: {  	s9 =	rddreg [dreg:$0x9];
	[sflag:s19] =	ssyncadd.s32 $0xFFFFF000  }
0x8b: {  	[spmem:s9] =	stream.linear.scatter [tilespmem:s1], [sflag:$0x3], $0x1000, $0x38;
	[tilespmem:$0x1F400] =	vst v63  }
0x8c: {  	_ =	swait.ge [sflag:s19], $0x1000  }
0x8d: {  	[sflag:s19] =	ssyncset.done $0x0  }
0x8e: {  	s12 =	rddreg [dreg:$0xa];
	[sflag:s19] =	ssyncadd.s32 $0xFFFFF000  }
0x8f: {  	[spmem:s12] =	stream.linear.scatter [tilespmem:s1], [sflag:$0x3], $0x1000, $0x38;
	[tilespmem:$0x1F400] =	vst v63  }
0x90: {  	_ =	swait.ge [sflag:s19], $0x1000  }
0x91: {  	[sflag:s19] =	ssyncset.done $0x0  }
0x92: {  	s16 =	rddreg [dreg:$0xb];
	[sflag:s19] =	ssyncadd.s32 $0xFFFFF000  }
0x93: {  	[spmem:s16] =	stream.linear.scatter [tilespmem:s1], [sflag:$0x3], $0x1000, $0x38;
	[tilespmem:$0x1F400] =	vst v63  }
0x94: {  	_ =	swait.ge [sflag:s19], $0x1000  }
0x95: {  	[sflag:s19] =	ssyncset.done $0x0  }
0x96: {  	s17 =	rddreg [dreg:$0xc];
	[sflag:s19] =	ssyncadd.s32 $0xFFFFF000  }
0x97: {  	[spmem:s17] =	stream.linear.scatter [tilespmem:s1], [sflag:$0x3], $0x1000, $0x38;
	[tilespmem:$0x1F400] =	vst v63  }
0x98: {  	_ =	swait.ge [sflag:s19], $0x1000  }
0x99: {  	[sflag:s19] =	ssyncset.done $0x0  }
0x9a: {  	s18 =	rddreg [dreg:$0xd];
	[sflag:s19] =	ssyncadd.s32 $0xFFFFF000  }
0x9b: {  	[spmem:s18] =	stream.linear.scatter [tilespmem:s1], [sflag:$0x3], $0x1000, $0x38;
	[tilespmem:$0x1F400] =	vst v63  }
0x9c: {  	_ =	swait.ge [sflag:s19], $0x1000  }
0x9d: {  	[sflag:s19] =	ssyncset.done $0x0  }
0x9e: {  	s21 =	rddreg [dreg:$0xe];
	[sflag:s19] =	ssyncadd.s32 $0xFFFFF000  }
0x9f: {  	[spmem:s21] =	stream.linear.scatter [tilespmem:s1], [sflag:$0x3], $0x1000, $0x38;
	[tilespmem:$0x1F400] =	vst v63  }
0xa0: {  	_ =	swait.ge [sflag:s19], $0x1000  }
0xa1: {  	[sflag:s19] =	ssyncset.done $0x0  }
0xa2: {  	s28 =	rddreg [dreg:$0xf];
	[sflag:s19] =	ssyncadd.s32 $0xFFFFF000  }
0xa3: {  	[spmem:s28] =	stream.linear.scatter [tilespmem:s1], [sflag:$0x3], $0x1000, $0x38;
	[tilespmem:$0x1F400] =	vst v63  }
0xa4: {  	_ =	swait.ge [sflag:s19], $0x1000  }
0xa5: {  	[sflag:s19] =	ssyncset.done $0x0  }
0xa6: {  	s30 =	rddreg [dreg:$0x10];
	[sflag:s19] =	ssyncadd.s32 $0xFFFFF000  }
0xa7: {  	[spmem:s30] =	stream.linear.scatter [tilespmem:s1], [sflag:$0x3], $0x1000, $0x38;
	[tilespmem:$0x1F400] =	vst v63  }
0xa8: {  	_ =	swait.ge [sflag:s19], $0x1000  }
0xa9: {  	[sflag:s19] =	ssyncset.done $0x0  }
0xaa: {  	s31 =	rddreg [dreg:$0x11];
	[sflag:s19] =	ssyncadd.s32 $0xFFFFF000  }
0xab: {  	[spmem:s31] =	stream.linear.scatter [tilespmem:s1], [sflag:$0x3], $0x1000, $0x38;
	[tilespmem:$0x1F400] =	vst v63  }
0xac: {  	_ =	swait.ge [sflag:s19], $0x1000  }
0xad: {  	[sflag:s19] =	ssyncset.done $0x0  }
0xae: {  	s4 =	rddreg [dreg:$0x12];
	[sflag:s19] =	ssyncadd.s32 $0xFFFFF000  }
0xaf: {  	[spmem:s4] =	stream.linear.scatter [tilespmem:s1], [sflag:$0x3], $0x1000, $0x38;
	[tilespmem:$0x1F400] =	vst v63  }
0xb0: {  	_ =	swait.ge [sflag:s19], $0x1000  }
0xb1: {  	[sflag:s19] =	ssyncset.done $0x0  }
0xb2: {  	s9 =	rddreg [dreg:$0x13];
	[sflag:s19] =	ssyncadd.s32 $0xFFFFF000  }
0xb3: {  	[spmem:s9] =	stream.linear.scatter [tilespmem:s1], [sflag:$0x3], $0x1000, $0x38;
	[tilespmem:$0x1F400] =	vst v63  }
0xb4: {  	_ =	swait.ge [sflag:s19], $0x1000  }
0xb5: {  	[sflag:s19] =	ssyncset.done $0x0  }
0xb6: {  	s12 =	rddreg [dreg:$0x14];
	[sflag:s19] =	ssyncadd.s32 $0xFFFFF000  }
0xb7: {  	[spmem:s12] =	stream.linear.scatter [tilespmem:s1], [sflag:$0x3], $0x1000, $0x38;
	[tilespmem:$0x1F400] =	vst v63  }
0xb8: {  	_ =	swait.ge [sflag:s19], $0x1000  }
0xb9: {  	[sflag:s19] =	ssyncset.done $0x0  }
0xba: {  	s16 =	rddreg [dreg:$0x15];
	[sflag:s19] =	ssyncadd.s32 $0xFFFFF000  }
0xbb: {  	[spmem:s16] =	stream.linear.scatter [tilespmem:s1], [sflag:$0x3], $0x1000, $0x38;
	[tilespmem:$0x1F400] =	vst v63  }
0xbc: {  	_ =	swait.ge [sflag:s19], $0x1000  }
0xbd: {  	[sflag:s19] =	ssyncset.done $0x0  }
0xbe: {  	s17 =	rddreg [dreg:$0x16];
	[sflag:s19] =	ssyncadd.s32 $0xFFFFF000  }
0xbf: {  	[spmem:s17] =	stream.linear.scatter [tilespmem:s1], [sflag:$0x3], $0x1000, $0x38;
	[tilespmem:$0x1F400] =	vst v63  }
0xc0: {  	_ =	swait.ge [sflag:s19], $0x1000  }
0xc1: {  	[sflag:s19] =	ssyncset.done $0x0  }
0xc2: {  	s18 =	rddreg [dreg:$0x17];
	[sflag:s19] =	ssyncadd.s32 $0xFFFFF000  }
0xc3: {  	[spmem:s18] =	stream.linear.scatter [tilespmem:s1], [sflag:$0x3], $0x1000, $0x38;
	[tilespmem:$0x1F400] =	vst v63  }
0xc4: {  	_ =	swait.ge [sflag:s19], $0x1000  }
0xc5: {  	[sflag:s19] =	ssyncset.done $0x0  }
0xc6: {  	s21 =	rddreg [dreg:$0x18];
	[sflag:s19] =	ssyncadd.s32 $0xFFFFF000  }
0xc7: {  	[spmem:s21] =	stream.linear.scatter [tilespmem:s1], [sflag:$0x3], $0x1000, $0x38;
	[tilespmem:$0x1F400] =	vst v63  }
0xc8: {  	_ =	swait.ge [sflag:s19], $0x1000  }
0xc9: {  	[sflag:s19] =	ssyncset.done $0x0  }
0xca: {  	s28 =	rddreg [dreg:$0x19];
	[sflag:s19] =	ssyncadd.s32 $0xFFFFF000  }
0xcb: {  	[spmem:s28] =	stream.linear.scatter [tilespmem:s1], [sflag:$0x3], $0x1000, $0x38;
	[tilespmem:$0x1F400] =	vst v63  }
0xcc: {  	_ =	swait.ge [sflag:s19], $0x1000  }
0xcd: {  	[sflag:s19] =	ssyncset.done $0x0  }
0xce: {  	s30 =	rddreg [dreg:$0x1a];
	[sflag:s19] =	ssyncadd.s32 $0xFFFFF000  }
0xcf: {  	[spmem:s30] =	stream.linear.scatter [tilespmem:s1], [sflag:$0x3], $0x1000, $0x38;
	[tilespmem:$0x1F400] =	vst v63  }
0xd0: {  	_ =	swait.ge [sflag:s19], $0x1000  }
0xd1: {  	[sflag:s19] =	ssyncset.done $0x0  }
0xd2: {  	s31 =	rddreg [dreg:$0x1b];
	[sflag:s19] =	ssyncadd.s32 $0xFFFFF000  }
0xd3: {  	[spmem:s31] =	stream.linear.scatter [tilespmem:s1], [sflag:$0x3], $0x1000, $0x38;
	[tilespmem:$0x1F400] =	vst v63  }
0xd4: {  	_ =	swait.ge [sflag:s19], $0x1000  }
0xd5: {  	[sflag:s19] =	ssyncset.done $0x0  }
0xd6: {  	[sflag:s19] =	ssyncadd.s32 $0xFFFFF000  }
0xd7: {  	s0 =	simm.s32 $0x0;
	[bflag:$0x0] =	sbarrier.arrive $0xFFFF  }
.LBB2_10:
0xd8: {  	s1 =	sadd.s32 s13, s0  }
0xd9: {  	s1 =	smul.u32 $0xA400, s1  }
0xda: {  	s4 =	simm.s32 $0x15C00  }
0xdb: {  	s9 =	simm.s32 $0x15800;
	s16 =	simm.s32 $0x15400;
	s12 =	sadd.s32 $0xA400, s1  }
0xdc: {  	s31 =	simm.s32 $0x15000;
	s18 =	simm.s32 $0x0;
	v3 =	vmov s1;
	v5 =	vor.u32 s1, v0;
	s1 =	simm.s32 $0x0;
	v4 =	vmov s12  }
.LBB2_11:
0xdd: {  	v9 =	vmov s31;
	_ =	sdelay $0x3  }
0xde: {  	s30 =	simm.s32 $0x0  }
0xdf: {  	v8 =	vld.idx.msk [tilespmem:v9+s30+$0x0 ss:$0x1], $0xffff;
	_ =	sdelay $0x2  }
0xe0: {  	v7 =	vmov s4  }
0xe1: {  	v6 =	vmov s16  }
0xe2: {  	v10 =	vor.u32 s1, v2;
	vm0 =	vge.s32 v8, v3;
	vm1 =	vlt.s32 v8, v4  }
0xe3: {  	v12 =	vor.u32 s1, v5;
	v11 =	vsub.s32 v8, v3;
	vm0 =	vmand vm0, vm1  }
0xe4: {  	s12 =	simm.s32 $0x10;
	v10 =	vsel vm0, v11, v10;
	v12 =	vsel vm0, v8, v12;
	v8 =	vmov s9  }
0xe5: {  	[tilespmem:v7+s30+$0x0 ss:$0x1] =	vst.idx.msk $0xffff, v10;
	v10 =	vld.idx.msk [tilespmem:v9+s12+$0x0 ss:$0x1], $0xffff;
	_ =	sdelay $0x1  }
0xe6: {  	v13 =	vor.u32 s1, v0  }
0xe7: {  	s21 =	simm.s32 $0x80;
	s17 =	smov.u32 s1;
	v11 =	vsel vm0, v11, v13;
	[tilespmem:v6+s30+$0x0 ss:$0x1] =	vst.idx.msk $0xffff, v12  }
.LBB2_12:
0xe8: {  	s28 =	sshra.s32 s21, $0x2;
	p0 =	sne.s32 s21, $0x1C0;
	s21 =	sadd.s32 $0x40, s21;
	[tilespmem:v8+s30+$0x0 ss:$0x1] =	vst.idx.msk $0xffff, v11  }
.Ltmp4:
0xe9: {  	vm0 =	vge.s32 v10, v3;
	vm1 =	vlt.s32 v10, v4;
	s17 =	sadd.s32 $0x10, s17;
	v11 =	vmov v10;
	s30 =	smov.u32 s12;
	v10 =	vld.idx.msk [tilespmem:v9+s28+$0x0 ss:$0x1], $0xffff;
	(pc) =	sbr.rel @p0 .LBB2_12-.Ltmp4, $4  }
0xea: {  	vm0 =	vmand vm0, vm1;
	v12 =	vsub.s32 v11, v3;
	v13 =	vor.u32 s17, v2;
	s12 =	smov.u32 s28  }
0xeb: {  	v14 =	vor.u32 s17, v0;
	v15 =	vor.u32 s17, v5;
	v13 =	vsel vm0, v12, v13  }
0xec: {  	v15 =	vsel vm0, v11, v15;
	v11 =	vsel vm0, v12, v14;
	[tilespmem:v7+s30+$0x0 ss:$0x1] =	vst.idx.msk $0xffff, v13  }
0xed: {  	[tilespmem:v6+s30+$0x0 ss:$0x1] =	vst.idx.msk $0xffff, v15  }
0xee: {  	_ = 	snop  }
0xef: {  	s18 =	sadd.s32 $0x1, s18  }
0xf0: {  	vm0 =	vge.s32 v10, v3;
	vm1 =	vlt.s32 v10, v4;
	s17 =	sadd.s32 $0x10, s17;
	p0 =	sne.s32 s18, $0x8  }
.Ltmp5:
0xf1: {  	v9 =	vsub.s32 v10, v3;
	vm0 =	vmand vm0, vm1;
	v12 =	vor.u32 s17, v2;
	(pc) =	sbr.rel @p0 .LBB2_11-.Ltmp5, $4  }
0xf2: {  	[tilespmem:v8+s30+$0x0 ss:$0x1] =	vst.idx.msk $0xffff, v11;
	v62 =	vor.u32 s17, v5;
	v12 =	vsel vm0, v9, v12  }
0xf3: {  	v13 =	vor.u32 s17, v0;
	v63 =	vsel vm0, v10, v62;
	[tilespmem:v7+s12+$0x0 ss:$0x1] =	vst.idx.msk $0xffff, v12  }
0xf4: {  	s1 =	sadd.s32 $0x80, s1;
	s4 =	sadd.s32 $0x80, s4;
	v7 =	vsel vm0, v9, v13;
	[tilespmem:v6+s12+$0x0 ss:$0x1] =	vst.idx.msk $0xffff, v63  }
0xf5: {  	s9 =	sadd.s32 $0x80, s9;
	s16 =	sadd.s32 $0x80, s16;
	s31 =	sadd.s32 $0x80, s31;
	[tilespmem:v8+s12+$0x0 ss:$0x1] =	vst.idx.msk $0xffff, v7  }
0xf6: {  	[tilespmem:s22], [sflag:$0x3] =	stream.linear.gather [hbm4b:s14+s3], $0x8000, $0x38;
	[tilespmem:$0x1F400] =	vst v63  }
0xf7: {  	_ =	swait.ge [sflag:s19], $0x8000  }
0xf8: {  	[sflag:s19] =	ssyncset.done $0x0  }
0xf9: {  	[sflag:s19] =	ssyncadd.s32 $0xFFFF8000  }
0xfa: {  	[spmem:s2] =	stream.indirect.scatter.add.f32 [tilespmem:s22], [sflag:$0x1], $0x20, s24, s23, $0xb8;
	[tilespmem:$0x1F400] =	vst v63  }
0xfb: {  	_ =	swait.ge [sflag:s25], $0x8000  }
0xfc: {  	[sflag:s25] =	ssyncset.done $0x0  }
0xfd: {  	[sflag:s25] =	ssyncadd.s32 $0xFFFF8000  }
0xfe: {  	[bflag:$0x0] =	sbarrier.arrive $0xFFFF  }
0xff: {  	[tilespmem:s22], [sflag:$0x1] =	stream.indirect.gather [hbm4b:s5+s23], $0x20, s26, s23, $0xb8;
	[tilespmem:$0x1F400] =	vst v63  }
0x100: {  	_ =	swait.ge [sflag:s25], $0x8000  }
0x101: {  	[sflag:s25] =	ssyncset.done $0x0  }
0x102: {  	s1 =	simm.s32 $0x15800;
	[sflag:s25] =	ssyncadd.s32 $0xFFFF8000  }
0x103: {  	[tilespmem:s22], [sflag:$0x2] =	stream.indirect.gather.add.f32 [spmem:s2], $0x20, s1, s23, $0xb8;
	[tilespmem:$0x1F400] =	vst v63  }
0x104: {  	_ =	swait.ge [sflag:s29], $0x8000  }
0x105: {  	[sflag:s29] =	ssyncset.done $0x0  }
0x106: {  	[sflag:s29] =	ssyncadd.s32 $0xFFFF8000  }
0x107: {  	[bflag:$0x0] =	sbarrier.arrive $0xFFFF  }
0x108: {  	[hbm4b:s7+s23] =	stream.indirect.scatter [tilespmem:s22], [sflag:$0x2], $0x20, s26, s23, $0xb8;
	[tilespmem:$0x1F400] =	vst v63  }
0x109: {  	_ =	swait.ge [sflag:s29], $0x8000  }
0x10a: {  	[sflag:s29] =	ssyncset.done $0x0  }
0x10b: {  	[sflag:s29] =	ssyncadd.s32 $0xFFFF8000  }
0x10c: {  	[tilespmem:s22], [sflag:$0x3] =	stream.linear.gather [hbm4b:s15+s3], $0x8000, $0x38;
	[tilespmem:$0x1F400] =	vst v63  }
0x10d: {  	_ =	swait.ge [sflag:s19], $0x8000  }
0x10e: {  	s0 =	sadd.s32 $0x1, s0;
	[sflag:s19] =	ssyncset.done $0x0  }
0x10f: {  	p0 =	sne.s32 s0, $0xC;
	[sflag:s19] =	ssyncadd.s32 $0xFFFF8000  }
0x110: {  	[spmem:s2] =	stream.indirect.scatter.add.f32 [tilespmem:s22], [sflag:$0x1], $0x20, s24, s23, $0xb8;
	[tilespmem:$0x1F400] =	vst v63  }
.Ltmp6:
0x111: {  	_ =	swait.ge [sflag:s25], $0x8000;
	(pc) =	sbr.rel @p0 .LBB2_10-.Ltmp6, $3  }
0x112: {  	[sflag:s25] =	ssyncset.done $0x0  }
0x113: {  	[sflag:s25] =	ssyncadd.s32 $0xFFFF8000  }
0x114: {  	[bflag:$0x0] =	sbarrier.arrive $0xFFFF;
	_ =	sdelay $0x1  }
0x115: {  	s1 =	rddreg [dreg:$0x1c]  }
0x116: {  	s0 =	rddreg [dreg:$0x7];
	s1 =	sadd.s32 $0x1, s1  }
0x117: {  	p0 =	sne.s32 s1, s0  }
.Ltmp7:
0x118: {  	_ = 	snop;
	(pc) =	sbr.rel @p0 .LBB2_1-.Ltmp7, $2  }
0x119: {  	_ =	sdelay $0x2  }
0x11a: {  	s17 =	rddreg [dreg:$0x2]  }
0x11b: {  	_ =	sfence.sel $0x180000  }
0x11c: {  	[bflag:$0x0] =	sbarrier.arrive $0xFFFF  }
0x11d: {  	_ =	strace $0x90000047  }
0x11e: {  	s0 =	stileid.u32;
	[bflag:$0x2] =	sbarrier.arrive $0xFFFF  }
0x11f: {  	p0 =	sne.s32 s0, $0x0;
	s0 =	rddreg [dreg:$0x4]  }
0x120: {  	s0 =	sadd.s32 @!p0 $0x100000, s0  }
0x121: {  	[sflag:s0] =	ssyncadd.tile.s32 @!p0 $0x1;
	_ =	shalt  }
.Lfunc_end2:
_tile_overlayer_lowered:
.L_overlay_start_2:
0x122: {  	(tag) =	ssettag $0x2  }
0x123: {  	s0 =	rddreg [dreg:$0x0];
	s2 =	stileid.u32  }
0x124: {  	s1 =	rddreg [dreg:$0x1];
	p0 =	sne.s32 s2, $0x0  }
0x125: {  	s3 =	rddreg [dreg:$0x2];
	[bflag:$0x3] =	sbarrier.arrive $0xFFFF;
	s2 =	simm.s32 @!p0 $0x1C03  }
0x126: {  	[timem:s3], [sflag:s2] =	dma.local @!p0 [hbm:s0], s1  }
0x127: {  	s0 =	simm.s32 @!p0 $0x3  }
0x128: {  	_ =	swait.ge @!p0 [sflag:s0], s1  }
0x129: {  	s1 =	ssub.s32 @!p0 $0x0, s1;
	[sflag:s0] =	ssyncset.done @!p0 $0x0  }
0x12a: {  	[sflag:s0] =	ssyncadd.s32 @!p0 s1  }
0x12b: {  	[bflag:$0x3] =	sbarrier.arrive $0xFFFF  }
0x12c: {  	_ =	shalt  }

// kernel: sparse-core-data-format-call.cloned.1.call-start
scs
called_computation_lowered:
.L_overlay_start_0:
0x0: {  	s2 =	sld [smem:$0x3FD9]  }
0x1: {  	s3 =	sld [smem:$0x3FFE];
	_ =	sdelay $0x1  }
0x2: {  	s1 =	srdreg.scid  }
0x3: {  	s0 =	sand.u32 $0x1, s1  }
0x4: {  	s18 =	sshll.u32 s0, $0xA;
	s2 =	sadd.s32 s3, s2  }
0x5: {  	s2 =	sadd.s32 s2, s18  }
0x6: {  	[smem:$0x3FC5] =	sst s2  }
0x7: {  	_ = 	snop  }
0x8: {  	s2 =	sld [smem:$0x3FD0];
	(tm) =	ssettm $0x1  }
0x9: {  	s19 =	sld [smem:$0x3FFB];
	_ =	sdelay $0x3  }
0xa: {  	_ =	strace s19  }
0xb: {  	s3 =	sld [smem:$0x3FFC];
	_ =	sdelay $0x3  }
0xc: {  	_ =	strace s3  }
0xd: {  	s3 =	sld [smem:$0x3FFD];
	_ =	sdelay $0x3  }
0xe: {  	_ =	strace s3  }
0xf: {  	_ =	strace $0x8FFFFFFF  }
0x10: {  	s20 =	sld [smem:$0x3FDB];
	_ =	sdelay $0x1  }
0x11: {  	s4 =	simm.s32 $_scs_section_size  }
0x12: {  	s5 =	simm.s32 $_size__tile_overlayer_lowered;
	s6 =	simm.s32 $_tile_overlayer_lowered  }
0x13: {  	s23 =	simm.s32 $0x1BFF;
	s22 =	sshll.u32 s6, $0x1;
	s3 =	sadd.s32 s4, s20  }
0x14: {  	s7 =	simm.s32 $0x0;
	s21 =	sshll.u32 s5, $0x1;
	s5 =	sadd.s32 s22, s3  }
0x15: {  	[timem:s7], [sflag:s23] =	dma.local [hbm:s5], s21  }
0x16: {  	_ =	swait.ge [sflag:s23], s21  }
0x17: {  	s4 =	ssub.s32 $0x0, s21;
	[sflag:s23] =	ssyncset.done $0x0  }
0x18: {  	[sflag:s23] =	ssyncadd.s32 s4;
	_ =	sdelay $0x1  }
0x19: {  	s24 =	simm.s32 $0x1B8B  }
0x1a: {  	_ =	swait.ge [sflag:s24], $0x1  }
0x1b: {  	[sflag:s24] =	ssyncset.done $0x0  }
0x1c: {  	s26 =	simm.s32 $0x1B8E;
	s25 =	sld [smem:$0x3FFE];
	[sflag:s24] =	ssyncadd.s32 $0xFFFFFFFF  }
0x1d: {  	s27 =	simm.s32 $execute0_lowered;
	[smem:$0x3FD2] =	sst s26  }
0x1e: {  	s5 =	sshll.u32 s27, $0x1;
	_ =	strace $0x80000049;
	[dreg:$0x1] =	wrdreg $0xFFFFFFFF  }
0x1f: {  	s28 =	simm.s32 $_size_execute0_lowered;
	s3 =	sadd.s32 s3, s5;
	[dreg:$0x0] =	wrdreg $0x0  }
0x20: {  	s5 =	sshll.u32 s28, $0x1;
	[dreg:$0x2] =	wrdreg s3  }
0x21: {  	[dreg:$0x3] =	wrdreg s5  }
0x22: {  	[dreg:$0x4] =	wrdreg $0xC0  }
0x23: {  	_ =	task [dreg:s7], $0x5FFFF  }
0x24: {  	[dreg:$0x1] =	wrdreg $0xFFFFFFFF  }
0x25: {  	[dreg:$0x0] =	wrdreg $0x60  }
0x26: {  	[dreg:$0x2] =	wrdreg s25  }
0x27: {  	[dreg:$0x3] =	wrdreg s2  }
0x28: {  	[dreg:$0x4] =	wrdreg $0x9  }
0x29: {  	_ =	task.clear_ibuf [dreg:s7], $0x5FFFF;
	_ =	strace $0x90000049  }
0x2a: {  	s29 =	simm.s32 $0x9;
	_ =	strace $0x8000004B  }
0x2b: {  	_ =	swait.ge [sflag:s29], $0x1  }
0x2c: {  	[sflag:s29] =	ssyncadd.s32 $0xFFFFFFFF  }
0x2d: {  	_ =	strace $0x9000004B  }
0x2e: {  	_ =	sfence  }
0x2f: {  	s30 =	sld [smem:$0x0];
	_ =	sdelay $0x2  }
0x30: {  	s31 =	sshll.u32 s1, $0xD;
	s1 =	sshrl.u32 s1, $0x2  }
0x31: {  	s3 =	sand.u32 $0x4000, s31;
	s1 =	sadd.s32 s1, s30  }
0x32: {  	s0 =	sor.u32 s3, s0;
	s1 =	sshll.u32 s1, $0x11  }
0x33: {  	s0 =	sor.u32 s1, s0  }
0x34: {  	s0 =	sadd.s32 $0x8F2B, s0  }
0x35: {  	[sflag:s0] =	ssyncadd.remote.s32 $0x1  }
0x36: {  	_ =	sfence.sel $0xFFFF  }
0x37: {  	[dreg:$0x0] =	wrdreg $0xFFFFFFFF;
	(pc) =	sbr.abs _section_cstart, $3  }
0x38: {  	[dreg:$0x1] =	wrdreg $0xFFFFFFFF  }
0x39: {  	_ =	task.clear_ibuf [dreg:s7], $0x2FFFF;
	_ =	strace $0x9FFFFFFF  }
0x3a: {  	(tm) =	ssettm $0x7FFFFFFF  }
0x3b: {  	_ =	shalt  }
tec
execute0_lowered:
.L_overlay_start_1:
0x0: {  	(tag) =	ssettag $0x1  }
0x1: {  	s4 =	rddreg [dreg:$0x0]  }
0x2: {  	s0 =	srdreg.scid;
	s2 =	rddreg [dreg:$0x1]  }
0x3: {  	s1 =	stileid.u32;
	s5 =	simm.s32 $0x1;
	s0 =	sshll.u32 s0, $0x4  }
0x4: {  	s7 =	simm.s32 $0x2;
	s11 =	simm.s32 $0x0;
	s3 =	sand.u32 $0x10, s0  }
.Ltmp0:
0x5: {  	p0 =	por $0x0, $0x0;
	s3 =	sor.u32 s1, s3;
	(pc) =	sbr.rel .LBB1_1-.Ltmp0, $4  }
0x6: {  	s8 =	simm.s32 $0x7A1400;
	s10 =	simm.s32 $0x0;
	s3 =	sshll.u32 s3, $0x7  }
0x7: {  	s0 =	rddreg [dreg:$0x2];
	_ =	strace $0x8000004A;
	s6 =	ssub.s32 $0xF4200, s3  }
0x8: {  	s4 =	sadd.s32 $0x3D1800, s4;
	[sflag:s5] =	ssyncpa.u1 $0x0;
	s6 =	sshrl.u32 s6, $0xC  }
0x9: {  	[sflag:s7] =	ssyncpa.u1 $0x0;
	s9 =	smov.u32 s3;
	s7 =	sadd.s32 $0x2, s6  }
.LBB1_5:
0xa: {  	s13 =	sadd.s32 $0x1000, s9  }
0xb: {  	p2 =	sgt.s32 s13, $0xF423F  }
0xc: {  	s13 =	smov.u32 @p2 s3;
	p2 =	sne.s32 s10, s7  }
.Ltmp1:
0xd: {  	p1 =	slt.u32 s10, $0x2;
	(pc) =	sbr.rel @!p2 .LBB1_6-.Ltmp1, $4  }
0xe: {  	s12 =	simm.s32 @!p1 $0x2  }
0xf: {  	s14 =	sadd.s32 $0x1, s10;
	_ =	swait.ge @!p1 [sflag:s12], $0x1000  }
0x10: {  	s11 =	smov.u32 s9;
	p0 =	por !p0, !p0;
	[sflag:s12] =	ssyncset.done @!p1 $0x0  }
0x11: {  	s10 =	smov.u32 s14;
	s9 =	smov.u32 s13;
	[sflag:s12] =	ssyncadd.s32 @!p1 $0xFFFFF000  }
.LBB1_1:
0x12: {  	p1 =	sgt.u32 s10, s6  }
0x13: {  	s13 =	smov.u32 s9;
	p2 =	sgt.s32 @!p1 s9, $0xF41C0  }
0x14: {  	s12 =	sand.u32 @!p1 $0x1FFFFFF, s9;
	s14 =	sshra.s32 @!p1 s9, $0x1F;
	p2 =	por !p2, p1  }
0x15: {  	s15 =	smulhi.u32 @!p1 $0x218DEF5, s12;
	s14 =	sand.u32 @!p1 s14, s9;
	s13 =	simm.s32 @p2 $0xF41C0  }
0x16: {  	s13 =	ssub.s32 @!p1 s13, s14  }
0x17: {  	s14 =	sshrl.u32 @!p1 s15, $0xD;
	s13 =	sadd.s32 @!p1 $0xFFF0BE40, s13  }
0x18: {  	s15 =	sxor.u32 @!p1 $0xFFFFFFFF, s10;
	s14 =	smul.u32 @!p1 $0xF4240, s14;
	s16 =	sshll.u32 @!p1 s13, $0x7  }
0x19: {  	s15 =	sshll.u32 @!p1 s15, $0xC;
	p2 =	sgt.s32 @!p1 s13, $0x7F;
	s13 =	ssub.s32 @!p1 $0x4000, s16  }
0x1a: {  	s12 =	ssub.s32 @!p1 s12, s14;
	p2 =	por !p2, p1;
	s14 =	sand.u32 @!p1 $0x1000, s15  }
0x1b: {  	s15 =	simm.s32 @!p1 $0x20;
	s13 =	sshrl.u32 @!p1 s13, $0x2;
	s12 =	sshll.u32 @!p1 s12, $0x4  }
0x1c: {  	s16 =	simm.s32 @!p1 $0x80;
	s13 =	simm.s32 @!p2 $0x0;
	s12 =	sadd.s32 @!p1 s4, s12  }
0x1d: {  	[tilespmem:s14], [sflag:$0x1] =	stream.strided.gather @!p1 [hbm4b:s12+s15], s13, s16, s15, $0x38;
	[tilespmem:$0x4040] =	vst v63  }
0x1e: {  	p1 =	seq.s32 s10, $0x0  }
0x1f: {  	p2 =	sge.u32 @!p1 s10, s7  }
0x20: {  	p1 =	por p1, p2  }
.Ltmp2:
0x21: {  	_ = 	snop;
	(pc) =	sbr.rel @p1 .LBB1_5-.Ltmp2, $1  }
0x22: {  	_ =	sdelay $0x3  }
0x23: {  	p1 =	sgt.s32 s11, $0xF41C0;
	s12 =	smov.u32 s11;
	s13 =	sshra.s32 s11, $0x1F  }
0x24: {  	s12 =	simm.s32 @!p1 $0xF41C0;
	s13 =	sand.u32 s13, s11  }
0x25: {  	s12 =	ssub.s32 s12, s13  }
0x26: {  	s12 =	sadd.s32 $0xFFF0BE40, s12  }
0x27: {  	s28 =	sshll.u32 s12, $0x7  }
0x28: {  	s13 =	ssub.s32 $0x4000, s28  }
0x29: {  	p1 =	sgt.s32 s12, $0x7F;
	s12 =	sshrl.u32 s13, $0x2  }
0x2a: {  	s13 =	simm.s32 $0x1;
	s12 =	simm.s32 @p1 $0x0  }
0x2b: {  	s13 =	simm.s32 @!p0 $0x0;
	_ =	swait.ge [sflag:s5], s12  }
0x2c: {  	s14 =	sshll.u32 s13, $0xC;
	s12 =	ssub.s32 $0x0, s12;
	[sflag:s5] =	ssyncset.done $0x0  }
0x2d: {  	s16 =	sor.u32 $0x10, s14;
	[sflag:s5] =	ssyncadd.s32 s12  }
0x2e: {  	s29 =	smul.u32 $0x4080, s13;
	v1 =	vld [tilespmem:s16+$0x0]  }
0x2f: {  	s30 =	sand.u32 $0x1, s10;
	v0 =	vld [tilespmem:s16+$0xFFFFFFF0]  }
0x30: {  	s13 =	smul.u32 $0x4080, s30;
	s12 =	sshrl.u32 s29, $0x2  }
0x31: {  	s14 =	sor.u32 $0x2000, s12  }
0x32: {  	s31 =	sshrl.u32 s13, $0x2;
	s13 =	sadd.s32 $0x0, s14  }
0x33: {  	s15 =	simm.s32 $0x4;
	s12 =	sor.u32 $0x2000, s31;
	s16 =	sadd.s32 $0x20, s16;
	[tilespmem:s13+$0x810 ss:$0x81] =	vst.msk $0xffff, v1  }
.LBB1_3:
0x34: {  	v1 =	vld [tilespmem:s16+$0x0];
	p1 =	sne.s32 s15, $0x1FC;
	[tilespmem:s13+$0x0 ss:$0x81] =	vst.msk $0xffff, v0;
	s13 =	smov.u32 s15;
	s15 =	sadd.s32 $0x4, s15  }
.Ltmp3:
0x35: {  	v0 =	vld [tilespmem:s16+$0xFFFFFFF0];
	(pc) =	sbr.rel @p1 .LBB1_3-.Ltmp3, $4  }
0x36: {  	_ = 	snop  }
0x37: {  	s13 =	sshra.s32 s13, $0x2  }
0x38: {  	s13 =	sadd.s32 s13, s14  }
0x39: {  	s16 =	sadd.s32 $0x20, s16;
	[tilespmem:s13+$0x810 ss:$0x81] =	vst.msk $0xffff, v1  }
0x3a: {  	s14 =	sshll.u32 s11, $0x3  }
0x3b: {  	s30 =	sand.u32 $0x7F, s11;
	s14 =	sand.u32 $0xFFFFFC00, s14  }
0x3c: {  	s11 =	sor.u32 s30, s14  }
0x3d: {  	s15 =	smulhi.u32 $0x218D6287, s11;
	_ =	sdelay $0x1  }
0x3e: {  	s14 =	smulhi.u32 $0x218D6287, s14;
	s15 =	sshrl.u32 s15, $0x11  }
0x3f: {  	s15 =	smul.u32 $0xF4280, s15  }
0x40: {  	s14 =	sshrl.u32 s14, $0x11  }
.Ltmp4:
0x41: {  	s14 =	sand.u32 $0x1F, s14;
	s11 =	ssub.s32 s11, s15;
	(pc) =	sbr.rel .LBB1_5-.Ltmp4, $4  }
0x42: {  	s14 =	smul.u32 $0x1E850, s14;
	s15 =	sshrl.u32 s11, $0x3;
	s11 =	sand.u32 $0x7, s11  }
0x43: {  	s15 =	sadd.s32 s2, s15;
	s11 =	sshll.u32 s11, $0x12  }
0x44: {  	[tilespmem:s13+$0x0 ss:$0x81] =	vst.msk $0xffff, v0;
	s31 =	sadd.s32 s14, s15;
	s11 =	sor.u32 $0x400, s11  }
0x45: {  	[hbm4b:s31+s11] =	stream.strided.scatter [tilespmem:s12], [sflag:$0x2], $0x1000, s8, s11, $0x20;
	[tilespmem:$0x4040] =	vst v63  }
.LBB1_6:
0x46: {  	_ =	sfence.sel $0x180000  }
0x47: {  	s2 =	simm.s32 $0x1;
	[bflag:$0x0] =	sbarrier.arrive $0xFFFF  }
0x48: {  	s31 =	simm.s32 $0x2;
	[sflag:s2] =	ssyncpa.u1 $0x1  }
0x49: {  	[sflag:s31] =	ssyncpa.u1 $0x1  }
0x4a: {  	p0 =	sne.s32 s1, $0x0;
	_ =	strace $0x9000004A  }
0x4b: {  	s0 =	sadd.s32 @!p0 $0x100000, s0;
	[bflag:$0x2] =	sbarrier.arrive $0xFFFF  }
0x4c: {  	[sflag:s0] =	ssyncadd.tile.s32 @!p0 $0x1;
	_ =	shalt  }
.Lfunc_end1:
_tile_overlayer_lowered:
.L_overlay_start_2:
0x4d: {  	(tag) =	ssettag $0x2  }
0x4e: {  	s0 =	rddreg [dreg:$0x0];
	s2 =	stileid.u32  }
0x4f: {  	s1 =	rddreg [dreg:$0x1];
	p0 =	sne.s32 s2, $0x0  }
0x50: {  	s3 =	rddreg [dreg:$0x2];
	[bflag:$0x3] =	sbarrier.arrive $0xFFFF;
	s2 =	simm.s32 @!p0 $0x1C01  }
0x51: {  	[timem:s3], [sflag:s2] =	dma.local @!p0 [hbm:s0], s1  }
0x52: {  	s0 =	simm.s32 @!p0 $0x1  }
0x53: {  	_ =	swait.ge @!p0 [sflag:s0], s1  }
0x54: {  	s1 =	ssub.s32 @!p0 $0x0, s1;
	[sflag:s0] =	ssyncset.done @!p0 $0x0  }
0x55: {  	[sflag:s0] =	ssyncadd.s32 @!p0 s1  }
0x56: {  	[bflag:$0x3] =	sbarrier.arrive $0xFFFF  }
0x57: {  	_ =	shalt  }

</sc_bundles>
